<compile_context>
chip_gen: v7x
topology: tpu7x:2x2x1
jax: 0.10.2.dev20260603
libtpu: 0.0.44.dev20260713+nightly
codegen_flags: <defaults>
</compile_context>

<pallas_src>
import functools

import jax
import jax.numpy as jnp
from jax import lax
from jax.experimental import pallas as pl
from jax.experimental.pallas import tpu as pltpu
from jax.experimental.pallas import tpu_sc as plsc

N_NODES = 10000
N_EDGES = 320000
NFEAT = 128
NHID = 128
NCLASS = 40

NC = 2
NS = 16
NW = NC * NS
EPT = N_EDGES // NW
K = 125
NCH = EPT // K
N_PAD = 10240
ROWS_PER_TILE = N_PAD // NS
ZROWS = 80
LANES = 16


def _sc_degree(dst2):
    mesh = plsc.VectorSubcoreMesh(core_axis_name="c", subcore_axis_name="s")

    @functools.partial(
        pl.kernel,
        out_type=jax.ShapeDtypeStruct((NW, N_NODES), jnp.float32),
        mesh=mesh,
        scratch_types=[
            pltpu.VMEM((EPT,), jnp.int32),
            pltpu.VMEM((N_NODES,), jnp.float32),
        ],
        compiler_params=pltpu.CompilerParams(needs_layout_passes=False),
    )
    def deg_kernel(dst_hbm, out_hbm, idx_v, deg_v):
        c = lax.axis_index("c")
        s = lax.axis_index("s")
        wid = c * NS + s
        pltpu.sync_copy(dst_hbm.at[wid], idx_v)

        def zero_body(i, carry):
            deg_v[pl.ds(i * LANES, LANES)] = jnp.zeros((LANES,), jnp.float32)
            return carry

        lax.fori_loop(0, N_NODES // LANES, zero_body, 0)

        ones = jnp.ones((LANES,), jnp.float32)

        def acc_body(i, carry):
            idx = idx_v[pl.ds(i * LANES, LANES)]
            plsc.addupdate_scatter(deg_v, [idx], ones)
            return carry

        lax.fori_loop(0, EPT // LANES, acc_body, 0)
        pltpu.sync_copy(deg_v, out_hbm.at[wid])

    return deg_kernel(dst2)


def _sc_aggregate(y, src3, dst4):
    mesh = plsc.VectorSubcoreMesh(core_axis_name="c", subcore_axis_name="s")

    @functools.partial(
        pl.kernel,
        out_type=jax.ShapeDtypeStruct((NC, N_PAD, NHID), jnp.float32),
        mesh=mesh,
        scratch_types=[
            pltpu.VMEM((NCH, K), jnp.int32),
            pltpu.VMEM((1, K), jnp.int32),
            pltpu.VMEM((1, K), jnp.int32),
            pltpu.VMEM((K, NHID), jnp.float32),
            pltpu.VMEM((K, NHID), jnp.float32),
            pltpu.VMEM_SHARED((N_PAD, NHID), jnp.float32),
            pltpu.SemaphoreType.DMA,
            pltpu.SemaphoreType.DMA,
            pltpu.SemaphoreType.DMA,
            pltpu.SemaphoreType.DMA,
            pltpu.SemaphoreType.DMA,
        ],
    )
    def agg_kernel(y_hbm, src_hbm, dst_hbm, out_hbm,
                   src_v, db0, db1, buf0, buf1, accum,
                   gsem0, gsem1, dsem0, dsem1, zsem):
        c = lax.axis_index("c")
        s = lax.axis_index("s")
        wid = c * NS + s
        pltpu.sync_copy(src_hbm.at[wid], src_v)
        pltpu.async_copy(dst_hbm.at[wid, 0], db0, dsem0)
        pltpu.async_copy(y_hbm.at[src_v.at[0]], buf0, gsem0)

        def zb(i, carry):
            r = i // (NHID // LANES)
            q = i % (NHID // LANES)
            buf1[r, pl.ds(q * LANES, LANES)] = jnp.zeros((LANES,), jnp.float32)
            return carry

        lax.fori_loop(0, ZROWS * (NHID // LANES), zb, 0)
        base = s * ROWS_PER_TILE

        def zcopy(j, carry):
            off = pl.multiple_of(base + j * ZROWS, 8)
            pltpu.async_copy(buf1.at[pl.ds(0, ZROWS)],
                             accum.at[pl.ds(off, ZROWS)], zsem)
            return carry

        lax.fori_loop(0, ROWS_PER_TILE // ZROWS, zcopy, 0)

        def zwait(j, carry):
            pltpu.make_async_copy(buf1.at[pl.ds(0, ZROWS)],
                                  accum.at[pl.ds(base, ZROWS)], zsem).wait()
            return carry

        lax.fori_loop(0, ROWS_PER_TILE // ZROWS, zwait, 0)
        plsc.subcore_barrier()

        pltpu.async_copy(dst_hbm.at[wid, 1], db1, dsem1)
        pltpu.async_copy(y_hbm.at[src_v.at[1]], buf1, gsem1)

        def pair(i2, carry):
            i = 2 * i2
            pltpu.make_async_copy(y_hbm.at[src_v.at[i]], buf0, gsem0).wait()
            pltpu.make_async_copy(dst_hbm.at[wid, i], db0, dsem0).wait()
            pltpu.sync_copy(buf0, accum.at[db0.at[0]], add=True)

            @pl.when(i2 + 1 < NCH // 2)
            def _():
                pltpu.async_copy(dst_hbm.at[wid, i + 2], db0, dsem0)
                pltpu.async_copy(y_hbm.at[src_v.at[i + 2]], buf0, gsem0)

            pltpu.make_async_copy(y_hbm.at[src_v.at[i + 1]], buf1, gsem1).wait()
            pltpu.make_async_copy(dst_hbm.at[wid, i + 1], db1, dsem1).wait()
            pltpu.sync_copy(buf1, accum.at[db1.at[0]], add=True)

            @pl.when(i2 + 1 < NCH // 2)
            def _():
                pltpu.async_copy(dst_hbm.at[wid, i + 3], db1, dsem1)
                pltpu.async_copy(y_hbm.at[src_v.at[i + 3]], buf1, gsem1)

            return carry

        lax.fori_loop(0, NCH // 2, pair, 0)
        plsc.subcore_barrier()

        pltpu.sync_copy(accum.at[pl.ds(base, ROWS_PER_TILE)],
                        out_hbm.at[c, pl.ds(base, ROWS_PER_TILE)])

    return agg_kernel(y, src3, dst4)


_ROWS = 2000


def _tc_prep(deg_part_t, x, W1):

    def body(degp_ref, x_ref, w_ref, dinv_ref, y_ref):
        deg = jnp.sum(degp_ref[...], axis=1) + 1.0
        dinv = lax.rsqrt(deg)
        dinv_ref[...] = dinv[:, None]
        xw = jnp.dot(x_ref[...], w_ref[...], preferred_element_type=jnp.float32)
        y_ref[...] = xw * dinv[:, None]

    return pl.pallas_call(
        body,
        grid=(N_NODES // _ROWS,),
        in_specs=[
            pl.BlockSpec((_ROWS, NW), lambda i: (i, 0)),
            pl.BlockSpec((_ROWS, NFEAT), lambda i: (i, 0)),
            pl.BlockSpec((NFEAT, NHID), lambda i: (0, 0)),
        ],
        out_specs=[
            pl.BlockSpec((_ROWS, 1), lambda i: (i, 0)),
            pl.BlockSpec((_ROWS, NHID), lambda i: (i, 0)),
        ],
        out_shape=[
            jax.ShapeDtypeStruct((N_NODES, 1), jnp.float32),
            jax.ShapeDtypeStruct((N_NODES, NHID), jnp.float32),
        ],
    )(deg_part_t, x, W1)


def _tc_mid(part, y_prev, dinv, b, Wn):

    def body(p_ref, y_ref, dinv_ref, b_ref, w_ref, out_ref):
        agg = p_ref[0] + p_ref[1] + y_ref[...]
        h = jnp.maximum(agg * dinv_ref[...] + b_ref[...], 0.0)
        out_ref[...] = jnp.dot(
            h, w_ref[...], preferred_element_type=jnp.float32) * dinv_ref[...]

    return pl.pallas_call(
        body,
        grid=(N_NODES // _ROWS,),
        in_specs=[
            pl.BlockSpec((NC, _ROWS, NHID), lambda i: (0, i, 0)),
            pl.BlockSpec((_ROWS, NHID), lambda i: (i, 0)),
            pl.BlockSpec((_ROWS, 1), lambda i: (i, 0)),
            pl.BlockSpec((1, NHID), lambda i: (0, 0)),
            pl.BlockSpec((NHID, NHID), lambda i: (0, 0)),
        ],
        out_specs=pl.BlockSpec((_ROWS, NHID), lambda i: (i, 0)),
        out_shape=jax.ShapeDtypeStruct((N_NODES, NHID), jnp.float32),
    )(part, y_prev, dinv, b, Wn)


def _tc_final(part, y_prev, dinv, b2, Wl, bl):

    def body(p_ref, y_ref, dinv_ref, b_ref, wl_ref, bl_ref, out_ref):
        agg = p_ref[0] + p_ref[1] + y_ref[...]
        h = jnp.maximum(agg * dinv_ref[...] + b_ref[...], 0.0)
        logits = jnp.dot(h, wl_ref[...],
                         preferred_element_type=jnp.float32) + bl_ref[...]
        m = jnp.max(logits, axis=1, keepdims=True)
        e = jnp.exp(logits - m)
        out_ref[...] = e / jnp.sum(e, axis=1, keepdims=True)

    return pl.pallas_call(
        body,
        grid=(N_NODES // _ROWS,),
        in_specs=[
            pl.BlockSpec((NC, _ROWS, NHID), lambda i: (0, i, 0)),
            pl.BlockSpec((_ROWS, NHID), lambda i: (i, 0)),
            pl.BlockSpec((_ROWS, 1), lambda i: (i, 0)),
            pl.BlockSpec((1, NHID), lambda i: (0, 0)),
            pl.BlockSpec((NHID, NCLASS), lambda i: (0, 0)),
            pl.BlockSpec((1, NCLASS), lambda i: (0, 0)),
        ],
        out_specs=pl.BlockSpec((_ROWS, NCLASS), lambda i: (i, 0)),
        out_shape=jax.ShapeDtypeStruct((N_NODES, NCLASS), jnp.float32),
    )(part, y_prev, dinv, b2, Wl, bl)


def kernel(x, edge_index, W1, b1, W2, b2, Wl, bl):
    src = edge_index[0].astype(jnp.int32)
    dst = edge_index[1].astype(jnp.int32)
    dst2 = dst.reshape(NW, EPT)
    src3 = src.reshape(NW, NCH, K)
    dst4 = dst.reshape(NW, NCH, 1, K)

    deg_part = _sc_degree(dst2)
    dinv, y1 = _tc_prep(deg_part.T, x, W1)
    part1 = _sc_aggregate(y1, src3, dst4)
    y2 = _tc_mid(part1, y1, dinv, b1.reshape(1, NHID), W2)
    part2 = _sc_aggregate(y2, src3, dst4)
    return _tc_final(part2, y2, dinv, b2.reshape(1, NHID),
                     Wl, bl.reshape(1, NCLASS))

# --- scband reference (transcript-rebuilt; emitter-appended) ---
"""Pipeline reference for scband-gcn-33672543600970 (READ-ONLY COPY).

The authoritative reference and input builder live on the scoring server;
editing this copy changes nothing except your own understanding.
"""

import jax, jax.numpy as jnp
import numpy as np

N_NODES = 10000
N_EDGES = 320000
NFEAT = 128
NHID = 128
NCLASS = 40


def _gcn_conv(x, edge_index, W, b, n_nodes):
    # PyG GCNConv with default add_self_loops=True, normalize=True:
    # out = D^{-1/2} (A + I) D^{-1/2} (x W) + b
    src = edge_index[0]
    dst = edge_index[1]
    loop = jnp.arange(n_nodes, dtype=src.dtype)
    src_f = jnp.concatenate([src, loop])
    dst_f = jnp.concatenate([dst, loop])
    xw = x @ W
    ones = jnp.ones(src_f.shape[0], dtype=x.dtype)
    deg = jax.ops.segment_sum(ones, dst_f, num_segments=n_nodes)
    dinv = jnp.where(deg > 0, jax.lax.rsqrt(deg), 0.0)
    norm = dinv[src_f] * dinv[dst_f]
    msg = xw[src_f] * norm[:, None]
    out = jax.ops.segment_sum(msg, dst_f, num_segments=n_nodes)
    return out + b


def setup_inputs(seed: int = 0) -> dict:
    key = jax.random.key(seed)
    ks = jax.random.split(key, 8)
    x = jax.random.normal(ks[0], (N_NODES, NFEAT), dtype=jnp.float32)
    edge_index = jax.random.randint(ks[1], (2, N_EDGES), 0, N_NODES, dtype=jnp.int64)
    s1 = 1.0 / np.sqrt(NFEAT)
    s2 = 1.0 / np.sqrt(NHID)
    W1 = jax.random.uniform(ks[2], (NFEAT, NHID), jnp.float32, -s1, s1)
    b1 = jnp.zeros((NHID,), dtype=jnp.float32)
    W2 = jax.random.uniform(ks[3], (NHID, NHID), jnp.float32, -s2, s2)
    b2 = jnp.zeros((NHID,), dtype=jnp.float32)
    Wl = jax.random.uniform(ks[4], (NHID, NCLASS), jnp.float32, -s2, s2)
    bl = jax.random.uniform(ks[5], (NCLASS,), jnp.float32, -s2, s2)
    return {"x": x, "edge_index": edge_index, "W1": W1, "b1": b1, "W2": W2, "b2": b2, "Wl": Wl, "bl": bl}


def reference(x, edge_index, W1, b1, W2, b2, Wl, bl):
    # eval mode: dropout is identity; use_bn=False so no batch norm
    n = x.shape[0]
    h = _gcn_conv(x, edge_index, W1, b1, n)
    h = jax.nn.relu(h)
    h = _gcn_conv(h, edge_index, W2, b2, n)
    h = jax.nn.relu(h)
    out = h @ Wl + bl
    return jax.nn.softmax(out, axis=1)

if __name__ == "__main__":
    import jax
    _d = setup_inputs()
    print(jax.jit(kernel)(*tuple(_d.values())))

</pallas_src>

<mosaic_0001>
#map = affine_map<(d0, d1) -> (0, 0)>
#map1 = affine_map<(d0, d1) -> (0, 0, 0)>
#map2 = affine_map<(d0, d1) -> (0, 0, 0, 0)>
module attributes {stable_mosaic.version = 14 : i64} {
  func.func @agg_kernel(%arg0: i32, %arg1: i32, %arg2: memref<10000x128xf32, #tpu.memory_space<hbm>>, %arg3: memref<32x80x125xi32, #tpu.memory_space<hbm>>, %arg4: memref<32x80x1x125xi32, #tpu.memory_space<hbm>>, %arg5: memref<2x10240x128xf32, #tpu.memory_space<hbm>>, %arg6: memref<80x125xi32, #tpu.memory_space<vmem>>, %arg7: memref<1x125xi32, #tpu.memory_space<vmem>>, %arg8: memref<1x125xi32, #tpu.memory_space<vmem>>, %arg9: memref<125x128xf32, #tpu.memory_space<vmem>>, %arg10: memref<125x128xf32, #tpu.memory_space<vmem>>, %arg11: memref<10240x128xf32, #tpu.memory_space<vmem_shared>>, %arg12: memref<!tpu.dma_semaphore, #tpu.memory_space<semaphore_mem>>, %arg13: memref<!tpu.dma_semaphore, #tpu.memory_space<semaphore_mem>>, %arg14: memref<!tpu.dma_semaphore, #tpu.memory_space<semaphore_mem>>, %arg15: memref<!tpu.dma_semaphore, #tpu.memory_space<semaphore_mem>>, %arg16: memref<!tpu.dma_semaphore, #tpu.memory_space<semaphore_mem>>) attributes {dimension_semantics = [#tpu.dimension_semantics<core_parallel>, #tpu.dimension_semantics<subcore_parallel>], iteration_bounds = array<i64: 2, 16>, scalar_prefetch = 0 : i64, scratch_operands = 11 : i64, tpu.core_type = #tpu.core_type<sc_vector_subcore>, window_params = [{transform_indices = #map}, {transform_indices = #map1}, {transform_indices = #map2}, {transform_indices = #map1}]} {
    %mul3A = arith.constant 16 : i32
    %mul3A_0 = arith.muli %arg0, %mul3A : i32
    %add3A = arith.addi %mul3A_0, %arg1 : i32
    "tpu.region"() ({
      %run_scoped3A = tpu.sem_alloc : memref<!tpu.dma_semaphore, #tpu.memory_space<semaphore_mem>>
      %dma_start3A_58 = arith.constant 0 : i32
      %dma_start3A_59 = arith.constant 0 : i32
      %dma_start3A_60 = tpu.memref_slice %arg3[%add3A, %dma_start3A_58, %dma_start3A_59] : memref<32x80x125xi32, #tpu.memory_space<hbm>> -> memref<1x80x125xi32, #tpu.memory_space<hbm>>
      %dma_start3A_61 = tpu.memref_squeeze %dma_start3A_60 : memref<1x80x125xi32, #tpu.memory_space<hbm>> -> memref<80x125xi32, #tpu.memory_space<hbm>>
      %dma_start3A_62 = arith.constant 0 : i32
      %dma_start3A_63 = arith.constant 0 : i32
      %dma_start3A_64 = tpu.memref_slice %arg3[%add3A, %dma_start3A_62, %dma_start3A_63] : memref<32x80x125xi32, #tpu.memory_space<hbm>> -> memref<1x80x125xi32, #tpu.memory_space<hbm>>
      %dma_start3A_65 = tpu.memref_squeeze %dma_start3A_64 : memref<1x80x125xi32, #tpu.memory_space<hbm>> -> memref<80x125xi32, #tpu.memory_space<hbm>>
      tpu.enqueue_dma source(%dma_start3A_65 : memref<80x125xi32, #tpu.memory_space<hbm>>) target(%arg6 : memref<80x125xi32, #tpu.memory_space<vmem>>) target_semaphore(%run_scoped3A : memref<!tpu.dma_semaphore, #tpu.memory_space<semaphore_mem>>)
      %dma_wait3A = arith.constant 0 : i32
      %dma_wait3A_66 = arith.constant 0 : i32
      %dma_wait3A_67 = tpu.memref_slice %arg3[%add3A, %dma_wait3A, %dma_wait3A_66] : memref<32x80x125xi32, #tpu.memory_space<hbm>> -> memref<1x80x125xi32, #tpu.memory_space<hbm>>
      %dma_wait3A_68 = tpu.memref_squeeze %dma_wait3A_67 : memref<1x80x125xi32, #tpu.memory_space<hbm>> -> memref<80x125xi32, #tpu.memory_space<hbm>>
      %dma_wait3A_69 = arith.constant 0 : i32
      %dma_wait3A_70 = arith.constant 0 : i32
      %dma_wait3A_71 = tpu.memref_slice %arg3[%add3A, %dma_wait3A_69, %dma_wait3A_70] : memref<32x80x125xi32, #tpu.memory_space<hbm>> -> memref<1x80x125xi32, #tpu.memory_space<hbm>>
      %dma_wait3A_72 = tpu.memref_squeeze %dma_wait3A_71 : memref<1x80x125xi32, #tpu.memory_space<hbm>> -> memref<80x125xi32, #tpu.memory_space<hbm>>
      tpu.wait_dma2 semaphore(%run_scoped3A : memref<!tpu.dma_semaphore, #tpu.memory_space<semaphore_mem>>) src(%dma_wait3A_72 : memref<80x125xi32, #tpu.memory_space<hbm>>) dst(%arg6 : memref<80x125xi32, #tpu.memory_space<vmem>>)
      tpu.yield
    }) : () -> ()
    %dma_start3A = arith.constant 0 : i32
    %dma_start3A_1 = arith.constant 0 : i32
    %dma_start3A_2 = arith.constant 0 : i32
    %dma_start3A_3 = tpu.memref_slice %arg4[%add3A, %dma_start3A, %dma_start3A_1, %dma_start3A_2] : memref<32x80x1x125xi32, #tpu.memory_space<hbm>> -> memref<1x1x1x125xi32, #tpu.memory_space<hbm>>
    %dma_start3A_4 = tpu.memref_squeeze %dma_start3A_3 : memref<1x1x1x125xi32, #tpu.memory_space<hbm>> -> memref<1x125xi32, #tpu.memory_space<hbm>>
    %dma_start3A_5 = arith.constant 0 : i32
    %dma_start3A_6 = arith.constant 0 : i32
    %dma_start3A_7 = tpu.memref_slice %arg4[%add3A, %dma_start3A, %dma_start3A_5, %dma_start3A_6] : memref<32x80x1x125xi32, #tpu.memory_space<hbm>> -> memref<1x1x1x125xi32, #tpu.memory_space<hbm>>
    %dma_start3A_8 = tpu.memref_squeeze %dma_start3A_7 : memref<1x1x1x125xi32, #tpu.memory_space<hbm>> -> memref<1x125xi32, #tpu.memory_space<hbm>>
    tpu.enqueue_dma source(%dma_start3A_8 : memref<1x125xi32, #tpu.memory_space<hbm>>) target(%arg7 : memref<1x125xi32, #tpu.memory_space<vmem>>) target_semaphore(%arg14 : memref<!tpu.dma_semaphore, #tpu.memory_space<semaphore_mem>>)
    %dma_start3A_9 = arith.constant 0 : i32
    %dma_start3A_10 = arith.constant 0 : i32
    %dma_start3A_11 = tpu.memref_slice %arg6[%dma_start3A_9, %dma_start3A_10] : memref<80x125xi32, #tpu.memory_space<vmem>> -> memref<1x125xi32, #tpu.memory_space<vmem>>
    %dma_start3A_12 = tpu.memref_squeeze %dma_start3A_11 : memref<1x125xi32, #tpu.memory_space<vmem>> -> memref<125xi32, #tpu.memory_space<vmem>>
    %dma_start3A_13 = arith.constant 0 : i32
    %dma_start3A_14 = arith.constant 0 : i32
    %dma_start3A_15 = tpu.memref_slice %arg2[%dma_start3A_13, %dma_start3A_14] : memref<10000x128xf32, #tpu.memory_space<hbm>> -> memref<10000x128xf32, #tpu.memory_space<hbm>>
    tpu.enqueue_indirect_dma source(%dma_start3A_15 : memref<10000x128xf32, #tpu.memory_space<hbm>>) target(%arg9 : memref<125x128xf32, #tpu.memory_space<vmem>>) offsets(%dma_start3A_12 : memref<125xi32, #tpu.memory_space<vmem>>) semaphore(%arg12 : memref<!tpu.dma_semaphore, #tpu.memory_space<semaphore_mem>>)
    %scan3A = arith.constant 0 : i32
    %scan3A_16 = arith.constant 0 : i32
    %scan3A_17 = arith.constant 640 : i32
    %scan3A_18 = arith.addi %scan3A_16, %scan3A_17 : i32
    %scan3A_19 = arith.constant 1 : i32
    scf.for %scan3A_58 = %scan3A_16 to %scan3A_18 step %scan3A_19  : i32 {
      %jit3A = arith.constant 8 : i32
      %div3A = arith.divsi %scan3A_58, %jit3A : i32
      %sign3A = arith.constant 0 : i32
      %sign3A_59 = arith.cmpi sgt, %scan3A_58, %sign3A : i32
      %sign3A_60 = arith.extui %sign3A_59 : i1 to i32
      %sign3A_61 = arith.constant 0 : i32
      %sign3A_62 = arith.cmpi slt, %scan3A_58, %sign3A_61 : i32
      %sign3A_63 = arith.extui %sign3A_62 : i1 to i32
      %sign3A_64 = arith.subi %sign3A_60, %sign3A_63 : i32
      %sign3A_65 = arith.constant 0 : i32
      %sign3A_66 = arith.cmpi sgt, %jit3A, %sign3A_65 : i32
      %sign3A_67 = arith.extui %sign3A_66 : i1 to i32
      %sign3A_68 = arith.constant 0 : i32
      %sign3A_69 = arith.cmpi slt, %jit3A, %sign3A_68 : i32
      %sign3A_70 = arith.extui %sign3A_69 : i1 to i32
      %sign3A_71 = arith.subi %sign3A_67, %sign3A_70 : i32
      %ne3A = arith.cmpi ne, %sign3A_64, %sign3A_71 : i32
      %rem3A = arith.remsi %scan3A_58, %jit3A : i32
      %ne3A_72 = arith.constant 0 : i32
      %ne3A_73 = arith.cmpi ne, %rem3A, %ne3A_72 : i32
      %and3A = arith.andi %ne3A, %ne3A_73 : i1
      %sub3A = arith.constant 1 : i32
      %sub3A_74 = arith.subi %div3A, %sub3A : i32
      %select_n3A = arith.select %and3A, %sub3A_74, %div3A : i32
      %jit3A_75 = arith.constant 8 : i32
      %eq3A = arith.constant 0 : i32
      %eq3A_76 = arith.cmpi eq, %jit3A_75, %eq3A : i32
      %jit3A_77 = arith.constant 1 : i32
      %select_n3A_78 = arith.select %eq3A_76, %jit3A_77, %jit3A_75 : i32
      %rem3A_79 = arith.remsi %scan3A_58, %select_n3A_78 : i32
      %ne3A_80 = arith.constant 0 : i32
      %ne3A_81 = arith.cmpi ne, %rem3A_79, %ne3A_80 : i32
      %lt3A = arith.constant 0 : i32
      %lt3A_82 = arith.cmpi slt, %rem3A_79, %lt3A : i32
      %lt3A_83 = arith.constant 0 : i32
      %lt3A_84 = arith.cmpi slt, %select_n3A_78, %lt3A_83 : i32
      %ne3A_85 = arith.xori %lt3A_82, %lt3A_84 : i1
      %and3A_86 = arith.andi %ne3A_85, %ne3A_81 : i1
      %add3A_87 = arith.addi %rem3A_79, %select_n3A_78 : i32
      %select_n3A_88 = arith.select %and3A_86, %add3A_87, %rem3A_79 : i32
      %broadcast_in_dim3A = arith.constant 0.000000e+00 : f32
      %broadcast_in_dim3A_89 = vector.broadcast %broadcast_in_dim3A : f32 to vector<16xf32>
      %mul3A_90 = arith.constant 16 : i32
      %mul3A_91 = arith.muli %select_n3A_88, %mul3A_90 : i32
      %swap3A = arith.index_cast %select_n3A : i32 to index
      %swap3A_92 = arith.index_cast %mul3A_91 : i32 to index
      %swap3A_93 = tpu.vector_load %arg10[%swap3A, %swap3A_92] {strides = array<i32>} : memref<125x128xf32, #tpu.memory_space<vmem>>, vector<1x16xf32>,
      %swap3A_94 = vector.shape_cast %swap3A_93 : vector<1x16xf32> to vector<16xf32>
      %swap3A_95 = vector.shape_cast %broadcast_in_dim3A_89 : vector<16xf32> to vector<1x16xf32>
      tpu.vector_store %arg10[%swap3A, %swap3A_92], %swap3A_95 {strides = array<i32>} : memref<125x128xf32, #tpu.memory_space<vmem>>, vector<1x16xf32>,
    }
    %scan3A_20 = arith.constant 640 : i32
    %mul3A_21 = arith.constant 640 : i32
    %mul3A_22 = arith.muli %arg1, %mul3A_21 : i32
    %scan3A_23 = arith.constant 0 : i32
    %scan3A_24 = arith.constant 0 : i32
    %scan3A_25 = arith.constant 8 : i32
    %scan3A_26 = arith.addi %scan3A_24, %scan3A_25 : i32
    %scan3A_27 = arith.constant 1 : i32
    scf.for %scan3A_58 = %scan3A_24 to %scan3A_26 step %scan3A_27  : i32 {
      %mul3A_59 = arith.constant 80 : i32
      %mul3A_60 = arith.muli %scan3A_58, %mul3A_59 : i32
      %add3A_61 = arith.addi %mul3A_22, %mul3A_60 : i32
      %multiple_of3A = tpu.assume_multiple %add3A_61, 8 : i32
      %dma_start3A_62 = arith.constant 0 : i32
      %dma_start3A_63 = arith.constant 0 : i32
      %dma_start3A_64 = tpu.memref_slice %arg10[%dma_start3A_62, %dma_start3A_63] : memref<125x128xf32, #tpu.memory_space<vmem>> -> memref<80x128xf32, #tpu.memory_space<vmem>>
      %dma_start3A_65 = arith.constant 0 : i32
      %dma_start3A_66 = tpu.memref_slice %arg11[%multiple_of3A, %dma_start3A_65] : memref<10240x128xf32, #tpu.memory_space<vmem_shared>> -> memref<80x128xf32, #tpu.memory_space<vmem_shared>>
      %dma_start3A_67 = arith.constant 0 : i32
      %dma_start3A_68 = tpu.memref_slice %arg11[%multiple_of3A, %dma_start3A_67] : memref<10240x128xf32, #tpu.memory_space<vmem_shared>> -> memref<80x128xf32, #tpu.memory_space<vmem_shared>>
      %dma_start3A_69 = arith.constant 0 : i32
      %dma_start3A_70 = arith.constant 0 : i32
      %dma_start3A_71 = tpu.memref_slice %arg10[%dma_start3A_69, %dma_start3A_70] : memref<125x128xf32, #tpu.memory_space<vmem>> -> memref<80x128xf32, #tpu.memory_space<vmem>>
      tpu.enqueue_dma source(%dma_start3A_71 : memref<80x128xf32, #tpu.memory_space<vmem>>) target(%dma_start3A_68 : memref<80x128xf32, #tpu.memory_space<vmem_shared>>) target_semaphore(%arg16 : memref<!tpu.dma_semaphore, #tpu.memory_space<semaphore_mem>>)
    }
    %scan3A_28 = arith.constant 8 : i32
    %scan3A_29 = arith.constant 0 : i32
    %scan3A_30 = arith.constant 0 : i32
    %scan3A_31 = arith.constant 8 : i32
    %scan3A_32 = arith.addi %scan3A_30, %scan3A_31 : i32
    %scan3A_33 = arith.constant 1 : i32
    scf.for %scan3A_58 = %scan3A_30 to %scan3A_32 step %scan3A_33  : i32 {
      %dma_wait3A = arith.constant 0 : i32
      %dma_wait3A_59 = arith.constant 0 : i32
      %dma_wait3A_60 = tpu.memref_slice %arg10[%dma_wait3A, %dma_wait3A_59] : memref<125x128xf32, #tpu.memory_space<vmem>> -> memref<80x128xf32, #tpu.memory_space<vmem>>
      %dma_wait3A_61 = arith.constant 0 : i32
      %dma_wait3A_62 = tpu.memref_slice %arg11[%mul3A_22, %dma_wait3A_61] : memref<10240x128xf32, #tpu.memory_space<vmem_shared>> -> memref<80x128xf32, #tpu.memory_space<vmem_shared>>
      %dma_wait3A_63 = arith.constant 0 : i32
      %dma_wait3A_64 = tpu.memref_slice %arg11[%mul3A_22, %dma_wait3A_63] : memref<10240x128xf32, #tpu.memory_space<vmem_shared>> -> memref<80x128xf32, #tpu.memory_space<vmem_shared>>
      %dma_wait3A_65 = arith.constant 0 : i32
      %dma_wait3A_66 = arith.constant 0 : i32
      %dma_wait3A_67 = tpu.memref_slice %arg10[%dma_wait3A_65, %dma_wait3A_66] : memref<125x128xf32, #tpu.memory_space<vmem>> -> memref<80x128xf32, #tpu.memory_space<vmem>>
      tpu.wait_dma2 semaphore(%arg16 : memref<!tpu.dma_semaphore, #tpu.memory_space<semaphore_mem>>) src(%dma_wait3A_67 : memref<80x128xf32, #tpu.memory_space<vmem>>) dst(%dma_wait3A_64 : memref<80x128xf32, #tpu.memory_space<vmem_shared>>)
    }
    %scan3A_34 = arith.constant 8 : i32
    %barrier3A = arith.constant 0 : index
    tpu.barrier barrier_id(%barrier3A)
    %dma_start3A_35 = arith.constant 1 : i32
    %dma_start3A_36 = arith.constant 0 : i32
    %dma_start3A_37 = arith.constant 0 : i32
    %dma_start3A_38 = tpu.memref_slice %arg4[%add3A, %dma_start3A_35, %dma_start3A_36, %dma_start3A_37] : memref<32x80x1x125xi32, #tpu.memory_space<hbm>> -> memref<1x1x1x125xi32, #tpu.memory_space<hbm>>
    %dma_start3A_39 = tpu.memref_squeeze %dma_start3A_38 : memref<1x1x1x125xi32, #tpu.memory_space<hbm>> -> memref<1x125xi32, #tpu.memory_space<hbm>>
    %dma_start3A_40 = arith.constant 0 : i32
    %dma_start3A_41 = arith.constant 0 : i32
    %dma_start3A_42 = tpu.memref_slice %arg4[%add3A, %dma_start3A_35, %dma_start3A_40, %dma_start3A_41] : memref<32x80x1x125xi32, #tpu.memory_space<hbm>> -> memref<1x1x1x125xi32, #tpu.memory_space<hbm>>
    %dma_start3A_43 = tpu.memref_squeeze %dma_start3A_42 : memref<1x1x1x125xi32, #tpu.memory_space<hbm>> -> memref<1x125xi32, #tpu.memory_space<hbm>>
    tpu.enqueue_dma source(%dma_start3A_43 : memref<1x125xi32, #tpu.memory_space<hbm>>) target(%arg8 : memref<1x125xi32, #tpu.memory_space<vmem>>) target_semaphore(%arg15 : memref<!tpu.dma_semaphore, #tpu.memory_space<semaphore_mem>>)
    %dma_start3A_44 = arith.constant 1 : i32
    %dma_start3A_45 = arith.constant 0 : i32
    %dma_start3A_46 = tpu.memref_slice %arg6[%dma_start3A_44, %dma_start3A_45] : memref<80x125xi32, #tpu.memory_space<vmem>> -> memref<1x125xi32, #tpu.memory_space<vmem>>
    %dma_start3A_47 = tpu.memref_squeeze %dma_start3A_46 : memref<1x125xi32, #tpu.memory_space<vmem>> -> memref<125xi32, #tpu.memory_space<vmem>>
    %dma_start3A_48 = arith.constant 0 : i32
    %dma_start3A_49 = arith.constant 0 : i32
    %dma_start3A_50 = tpu.memref_slice %arg2[%dma_start3A_48, %dma_start3A_49] : memref<10000x128xf32, #tpu.memory_space<hbm>> -> memref<10000x128xf32, #tpu.memory_space<hbm>>
    tpu.enqueue_indirect_dma source(%dma_start3A_50 : memref<10000x128xf32, #tpu.memory_space<hbm>>) target(%arg10 : memref<125x128xf32, #tpu.memory_space<vmem>>) offsets(%dma_start3A_47 : memref<125xi32, #tpu.memory_space<vmem>>) semaphore(%arg13 : memref<!tpu.dma_semaphore, #tpu.memory_space<semaphore_mem>>)
    %scan3A_51 = arith.constant 0 : i32
    %scan3A_52 = arith.constant 0 : i32
    %scan3A_53 = arith.constant 40 : i32
    %scan3A_54 = arith.addi %scan3A_52, %scan3A_53 : i32
    %scan3A_55 = arith.constant 1 : i32
    scf.for %scan3A_58 = %scan3A_52 to %scan3A_54 step %scan3A_55  : i32 {
      %mul3A_59 = arith.constant 2 : i32
      %mul3A_60 = arith.muli %mul3A_59, %scan3A_58 : i32
      %dma_wait3A = arith.constant 0 : i32
      %dma_wait3A_61 = tpu.memref_slice %arg6[%mul3A_60, %dma_wait3A] : memref<80x125xi32, #tpu.memory_space<vmem>> -> memref<1x125xi32, #tpu.memory_space<vmem>>
      %dma_wait3A_62 = tpu.memref_squeeze %dma_wait3A_61 : memref<1x125xi32, #tpu.memory_space<vmem>> -> memref<125xi32, #tpu.memory_space<vmem>>
      %dma_wait3A_63 = arith.constant 0 : i32
      %dma_wait3A_64 = arith.constant 0 : i32
      %dma_wait3A_65 = tpu.memref_slice %arg2[%dma_wait3A_63, %dma_wait3A_64] : memref<10000x128xf32, #tpu.memory_space<hbm>> -> memref<10000x128xf32, #tpu.memory_space<hbm>>
      tpu.wait_indirect_dma semaphore(%arg12 : memref<!tpu.dma_semaphore, #tpu.memory_space<semaphore_mem>>) src(%dma_wait3A_65 : memref<10000x128xf32, #tpu.memory_space<hbm>>) dst(%arg9 : memref<125x128xf32, #tpu.memory_space<vmem>>)
      %dma_wait3A_66 = arith.constant 0 : i32
      %dma_wait3A_67 = arith.constant 0 : i32
      %dma_wait3A_68 = tpu.memref_slice %arg4[%add3A, %mul3A_60, %dma_wait3A_66, %dma_wait3A_67] : memref<32x80x1x125xi32, #tpu.memory_space<hbm>> -> memref<1x1x1x125xi32, #tpu.memory_space<hbm>>
      %dma_wait3A_69 = tpu.memref_squeeze %dma_wait3A_68 : memref<1x1x1x125xi32, #tpu.memory_space<hbm>> -> memref<1x125xi32, #tpu.memory_space<hbm>>
      %dma_wait3A_70 = arith.constant 0 : i32
      %dma_wait3A_71 = arith.constant 0 : i32
      %dma_wait3A_72 = tpu.memref_slice %arg4[%add3A, %mul3A_60, %dma_wait3A_70, %dma_wait3A_71] : memref<32x80x1x125xi32, #tpu.memory_space<hbm>> -> memref<1x1x1x125xi32, #tpu.memory_space<hbm>>
      %dma_wait3A_73 = tpu.memref_squeeze %dma_wait3A_72 : memref<1x1x1x125xi32, #tpu.memory_space<hbm>> -> memref<1x125xi32, #tpu.memory_space<hbm>>
      tpu.wait_dma2 semaphore(%arg14 : memref<!tpu.dma_semaphore, #tpu.memory_space<semaphore_mem>>) src(%dma_wait3A_73 : memref<1x125xi32, #tpu.memory_space<hbm>>) dst(%arg7 : memref<1x125xi32, #tpu.memory_space<vmem>>)
      %run_scoped3A = arith.constant 0 : i32
      "tpu.region"() ({
        %run_scoped3A_104 = tpu.sem_alloc : memref<!tpu.dma_semaphore, #tpu.memory_space<semaphore_mem>>
        %dma_start3A_105 = arith.constant 0 : i32
        %dma_start3A_106 = tpu.memref_slice %arg7[%run_scoped3A, %dma_start3A_105] : memref<1x125xi32, #tpu.memory_space<vmem>> -> memref<1x125xi32, #tpu.memory_space<vmem>>
        %dma_start3A_107 = tpu.memref_squeeze %dma_start3A_106 : memref<1x125xi32, #tpu.memory_space<vmem>> -> memref<125xi32, #tpu.memory_space<vmem>>
        %dma_start3A_108 = arith.constant 0 : i32
        %dma_start3A_109 = arith.constant 0 : i32
        %dma_start3A_110 = tpu.memref_slice %arg11[%dma_start3A_108, %dma_start3A_109] : memref<10240x128xf32, #tpu.memory_space<vmem_shared>> -> memref<10240x128xf32, #tpu.memory_space<vmem_shared>>
        tpu.enqueue_indirect_dma source(%arg9 : memref<125x128xf32, #tpu.memory_space<vmem>>) target(%dma_start3A_110 : memref<10240x128xf32, #tpu.memory_space<vmem_shared>>) offsets(%dma_start3A_107 : memref<125xi32, #tpu.memory_space<vmem>>) semaphore(%run_scoped3A_104 : memref<!tpu.dma_semaphore, #tpu.memory_space<semaphore_mem>>) {add = true}
        %dma_wait3A_111 = arith.constant 0 : i32
        %dma_wait3A_112 = tpu.memref_slice %arg7[%run_scoped3A, %dma_wait3A_111] : memref<1x125xi32, #tpu.memory_space<vmem>> -> memref<1x125xi32, #tpu.memory_space<vmem>>
        %dma_wait3A_113 = tpu.memref_squeeze %dma_wait3A_112 : memref<1x125xi32, #tpu.memory_space<vmem>> -> memref<125xi32, #tpu.memory_space<vmem>>
        %dma_wait3A_114 = arith.constant 0 : i32
        %dma_wait3A_115 = arith.constant 0 : i32
        %dma_wait3A_116 = tpu.memref_slice %arg11[%dma_wait3A_114, %dma_wait3A_115] : memref<10240x128xf32, #tpu.memory_space<vmem_shared>> -> memref<10240x128xf32, #tpu.memory_space<vmem_shared>>
        tpu.wait_indirect_dma semaphore(%run_scoped3A_104 : memref<!tpu.dma_semaphore, #tpu.memory_space<semaphore_mem>>) src(%arg9 : memref<125x128xf32, #tpu.memory_space<vmem>>) dst(%dma_wait3A_116 : memref<10240x128xf32, #tpu.memory_space<vmem_shared>>)
        tpu.yield
      }) : () -> ()
      %add3A_74 = arith.constant 1 : i32
      %add3A_75 = arith.addi %scan3A_58, %add3A_74 : i32
      %lt3A = arith.constant 40 : i32
      %lt3A_76 = arith.cmpi slt, %add3A_75, %lt3A : i32
      %convert_element_type3A = arith.extui %lt3A_76 : i1 to i32
      %cond3A = arith.constant 0 : i32
      %cond3A_77 = arith.cmpi ne, %convert_element_type3A, %cond3A : i32
      scf.if %cond3A_77 {
        %add3A_104 = arith.constant 2 : i32
        %add3A_105 = arith.addi %mul3A_60, %add3A_104 : i32
        %dma_start3A_106 = arith.constant 0 : i32
        %dma_start3A_107 = arith.constant 0 : i32
        %dma_start3A_108 = tpu.memref_slice %arg4[%add3A, %add3A_105, %dma_start3A_106, %dma_start3A_107] : memref<32x80x1x125xi32, #tpu.memory_space<hbm>> -> memref<1x1x1x125xi32, #tpu.memory_space<hbm>>
        %dma_start3A_109 = tpu.memref_squeeze %dma_start3A_108 : memref<1x1x1x125xi32, #tpu.memory_space<hbm>> -> memref<1x125xi32, #tpu.memory_space<hbm>>
        %dma_start3A_110 = arith.constant 0 : i32
        %dma_start3A_111 = arith.constant 0 : i32
        %dma_start3A_112 = tpu.memref_slice %arg4[%add3A, %add3A_105, %dma_start3A_110, %dma_start3A_111] : memref<32x80x1x125xi32, #tpu.memory_space<hbm>> -> memref<1x1x1x125xi32, #tpu.memory_space<hbm>>
        %dma_start3A_113 = tpu.memref_squeeze %dma_start3A_112 : memref<1x1x1x125xi32, #tpu.memory_space<hbm>> -> memref<1x125xi32, #tpu.memory_space<hbm>>
        tpu.enqueue_dma source(%dma_start3A_113 : memref<1x125xi32, #tpu.memory_space<hbm>>) target(%arg7 : memref<1x125xi32, #tpu.memory_space<vmem>>) target_semaphore(%arg14 : memref<!tpu.dma_semaphore, #tpu.memory_space<semaphore_mem>>)
        %add3A_114 = arith.constant 2 : i32
        %add3A_115 = arith.addi %mul3A_60, %add3A_114 : i32
        %dma_start3A_116 = arith.constant 0 : i32
        %dma_start3A_117 = tpu.memref_slice %arg6[%add3A_115, %dma_start3A_116] : memref<80x125xi32, #tpu.memory_space<vmem>> -> memref<1x125xi32, #tpu.memory_space<vmem>>
        %dma_start3A_118 = tpu.memref_squeeze %dma_start3A_117 : memref<1x125xi32, #tpu.memory_space<vmem>> -> memref<125xi32, #tpu.memory_space<vmem>>
        %dma_start3A_119 = arith.constant 0 : i32
        %dma_start3A_120 = arith.constant 0 : i32
        %dma_start3A_121 = tpu.memref_slice %arg2[%dma_start3A_119, %dma_start3A_120] : memref<10000x128xf32, #tpu.memory_space<hbm>> -> memref<10000x128xf32, #tpu.memory_space<hbm>>
        tpu.enqueue_indirect_dma source(%dma_start3A_121 : memref<10000x128xf32, #tpu.memory_space<hbm>>) target(%arg9 : memref<125x128xf32, #tpu.memory_space<vmem>>) offsets(%dma_start3A_118 : memref<125xi32, #tpu.memory_space<vmem>>) semaphore(%arg12 : memref<!tpu.dma_semaphore, #tpu.memory_space<semaphore_mem>>)
      } else {
      }
      %add3A_78 = arith.constant 1 : i32
      %add3A_79 = arith.addi %mul3A_60, %add3A_78 : i32
      %dma_wait3A_80 = arith.constant 0 : i32
      %dma_wait3A_81 = tpu.memref_slice %arg6[%add3A_79, %dma_wait3A_80] : memref<80x125xi32, #tpu.memory_space<vmem>> -> memref<1x125xi32, #tpu.memory_space<vmem>>
      %dma_wait3A_82 = tpu.memref_squeeze %dma_wait3A_81 : memref<1x125xi32, #tpu.memory_space<vmem>> -> memref<125xi32, #tpu.memory_space<vmem>>
      %dma_wait3A_83 = arith.constant 0 : i32
      %dma_wait3A_84 = arith.constant 0 : i32
      %dma_wait3A_85 = tpu.memref_slice %arg2[%dma_wait3A_83, %dma_wait3A_84] : memref<10000x128xf32, #tpu.memory_space<hbm>> -> memref<10000x128xf32, #tpu.memory_space<hbm>>
      tpu.wait_indirect_dma semaphore(%arg13 : memref<!tpu.dma_semaphore, #tpu.memory_space<semaphore_mem>>) src(%dma_wait3A_85 : memref<10000x128xf32, #tpu.memory_space<hbm>>) dst(%arg10 : memref<125x128xf32, #tpu.memory_space<vmem>>)
      %add3A_86 = arith.constant 1 : i32
      %add3A_87 = arith.addi %mul3A_60, %add3A_86 : i32
      %dma_wait3A_88 = arith.constant 0 : i32
      %dma_wait3A_89 = arith.constant 0 : i32
      %dma_wait3A_90 = tpu.memref_slice %arg4[%add3A, %add3A_87, %dma_wait3A_88, %dma_wait3A_89] : memref<32x80x1x125xi32, #tpu.memory_space<hbm>> -> memref<1x1x1x125xi32, #tpu.memory_space<hbm>>
      %dma_wait3A_91 = tpu.memref_squeeze %dma_wait3A_90 : memref<1x1x1x125xi32, #tpu.memory_space<hbm>> -> memref<1x125xi32, #tpu.memory_space<hbm>>
      %dma_wait3A_92 = arith.constant 0 : i32
      %dma_wait3A_93 = arith.constant 0 : i32
      %dma_wait3A_94 = tpu.memref_slice %arg4[%add3A, %add3A_87, %dma_wait3A_92, %dma_wait3A_93] : memref<32x80x1x125xi32, #tpu.memory_space<hbm>> -> memref<1x1x1x125xi32, #tpu.memory_space<hbm>>
      %dma_wait3A_95 = tpu.memref_squeeze %dma_wait3A_94 : memref<1x1x1x125xi32, #tpu.memory_space<hbm>> -> memref<1x125xi32, #tpu.memory_space<hbm>>
      tpu.wait_dma2 semaphore(%arg15 : memref<!tpu.dma_semaphore, #tpu.memory_space<semaphore_mem>>) src(%dma_wait3A_95 : memref<1x125xi32, #tpu.memory_space<hbm>>) dst(%arg8 : memref<1x125xi32, #tpu.memory_space<vmem>>)
      %run_scoped3A_96 = arith.constant 0 : i32
      "tpu.region"() ({
        %run_scoped3A_104 = tpu.sem_alloc : memref<!tpu.dma_semaphore, #tpu.memory_space<semaphore_mem>>
        %dma_start3A_105 = arith.constant 0 : i32
        %dma_start3A_106 = tpu.memref_slice %arg8[%run_scoped3A_96, %dma_start3A_105] : memref<1x125xi32, #tpu.memory_space<vmem>> -> memref<1x125xi32, #tpu.memory_space<vmem>>
        %dma_start3A_107 = tpu.memref_squeeze %dma_start3A_106 : memref<1x125xi32, #tpu.memory_space<vmem>> -> memref<125xi32, #tpu.memory_space<vmem>>
        %dma_start3A_108 = arith.constant 0 : i32
        %dma_start3A_109 = arith.constant 0 : i32
        %dma_start3A_110 = tpu.memref_slice %arg11[%dma_start3A_108, %dma_start3A_109] : memref<10240x128xf32, #tpu.memory_space<vmem_shared>> -> memref<10240x128xf32, #tpu.memory_space<vmem_shared>>
        tpu.enqueue_indirect_dma source(%arg10 : memref<125x128xf32, #tpu.memory_space<vmem>>) target(%dma_start3A_110 : memref<10240x128xf32, #tpu.memory_space<vmem_shared>>) offsets(%dma_start3A_107 : memref<125xi32, #tpu.memory_space<vmem>>) semaphore(%run_scoped3A_104 : memref<!tpu.dma_semaphore, #tpu.memory_space<semaphore_mem>>) {add = true}
        %dma_wait3A_111 = arith.constant 0 : i32
        %dma_wait3A_112 = tpu.memref_slice %arg8[%run_scoped3A_96, %dma_wait3A_111] : memref<1x125xi32, #tpu.memory_space<vmem>> -> memref<1x125xi32, #tpu.memory_space<vmem>>
        %dma_wait3A_113 = tpu.memref_squeeze %dma_wait3A_112 : memref<1x125xi32, #tpu.memory_space<vmem>> -> memref<125xi32, #tpu.memory_space<vmem>>
        %dma_wait3A_114 = arith.constant 0 : i32
        %dma_wait3A_115 = arith.constant 0 : i32
        %dma_wait3A_116 = tpu.memref_slice %arg11[%dma_wait3A_114, %dma_wait3A_115] : memref<10240x128xf32, #tpu.memory_space<vmem_shared>> -> memref<10240x128xf32, #tpu.memory_space<vmem_shared>>
        tpu.wait_indirect_dma semaphore(%run_scoped3A_104 : memref<!tpu.dma_semaphore, #tpu.memory_space<semaphore_mem>>) src(%arg10 : memref<125x128xf32, #tpu.memory_space<vmem>>) dst(%dma_wait3A_116 : memref<10240x128xf32, #tpu.memory_space<vmem_shared>>)
        tpu.yield
      }) : () -> ()
      %add3A_97 = arith.constant 1 : i32
      %add3A_98 = arith.addi %scan3A_58, %add3A_97 : i32
      %lt3A_99 = arith.constant 40 : i32
      %lt3A_100 = arith.cmpi slt, %add3A_98, %lt3A_99 : i32
      %convert_element_type3A_101 = arith.extui %lt3A_100 : i1 to i32
      %cond3A_102 = arith.constant 0 : i32
      %cond3A_103 = arith.cmpi ne, %convert_element_type3A_101, %cond3A_102 : i32
      scf.if %cond3A_103 {
        %add3A_104 = arith.constant 3 : i32
        %add3A_105 = arith.addi %mul3A_60, %add3A_104 : i32
        %dma_start3A_106 = arith.constant 0 : i32
        %dma_start3A_107 = arith.constant 0 : i32
        %dma_start3A_108 = tpu.memref_slice %arg4[%add3A, %add3A_105, %dma_start3A_106, %dma_start3A_107] : memref<32x80x1x125xi32, #tpu.memory_space<hbm>> -> memref<1x1x1x125xi32, #tpu.memory_space<hbm>>
        %dma_start3A_109 = tpu.memref_squeeze %dma_start3A_108 : memref<1x1x1x125xi32, #tpu.memory_space<hbm>> -> memref<1x125xi32, #tpu.memory_space<hbm>>
        %dma_start3A_110 = arith.constant 0 : i32
        %dma_start3A_111 = arith.constant 0 : i32
        %dma_start3A_112 = tpu.memref_slice %arg4[%add3A, %add3A_105, %dma_start3A_110, %dma_start3A_111] : memref<32x80x1x125xi32, #tpu.memory_space<hbm>> -> memref<1x1x1x125xi32, #tpu.memory_space<hbm>>
        %dma_start3A_113 = tpu.memref_squeeze %dma_start3A_112 : memref<1x1x1x125xi32, #tpu.memory_space<hbm>> -> memref<1x125xi32, #tpu.memory_space<hbm>>
        tpu.enqueue_dma source(%dma_start3A_113 : memref<1x125xi32, #tpu.memory_space<hbm>>) target(%arg8 : memref<1x125xi32, #tpu.memory_space<vmem>>) target_semaphore(%arg15 : memref<!tpu.dma_semaphore, #tpu.memory_space<semaphore_mem>>)
        %add3A_114 = arith.constant 3 : i32
        %add3A_115 = arith.addi %mul3A_60, %add3A_114 : i32
        %dma_start3A_116 = arith.constant 0 : i32
        %dma_start3A_117 = tpu.memref_slice %arg6[%add3A_115, %dma_start3A_116] : memref<80x125xi32, #tpu.memory_space<vmem>> -> memref<1x125xi32, #tpu.memory_space<vmem>>
        %dma_start3A_118 = tpu.memref_squeeze %dma_start3A_117 : memref<1x125xi32, #tpu.memory_space<vmem>> -> memref<125xi32, #tpu.memory_space<vmem>>
        %dma_start3A_119 = arith.constant 0 : i32
        %dma_start3A_120 = arith.constant 0 : i32
        %dma_start3A_121 = tpu.memref_slice %arg2[%dma_start3A_119, %dma_start3A_120] : memref<10000x128xf32, #tpu.memory_space<hbm>> -> memref<10000x128xf32, #tpu.memory_space<hbm>>
        tpu.enqueue_indirect_dma source(%dma_start3A_121 : memref<10000x128xf32, #tpu.memory_space<hbm>>) target(%arg10 : memref<125x128xf32, #tpu.memory_space<vmem>>) offsets(%dma_start3A_118 : memref<125xi32, #tpu.memory_space<vmem>>) semaphore(%arg13 : memref<!tpu.dma_semaphore, #tpu.memory_space<semaphore_mem>>)
      } else {
      }
    }
    %scan3A_56 = arith.constant 40 : i32
    %barrier3A_57 = arith.constant 0 : index
    tpu.barrier barrier_id(%barrier3A_57)
    "tpu.region"() ({
      %run_scoped3A = tpu.sem_alloc : memref<!tpu.dma_semaphore, #tpu.memory_space<semaphore_mem>>
      %dma_start3A_58 = arith.constant 0 : i32
      %dma_start3A_59 = tpu.memref_slice %arg5[%arg0, %mul3A_22, %dma_start3A_58] : memref<2x10240x128xf32, #tpu.memory_space<hbm>> -> memref<1x640x128xf32, #tpu.memory_space<hbm>>
      %dma_start3A_60 = tpu.memref_squeeze %dma_start3A_59 : memref<1x640x128xf32, #tpu.memory_space<hbm>> -> memref<640x128xf32, #tpu.memory_space<hbm>>
      %dma_start3A_61 = arith.constant 0 : i32
      %dma_start3A_62 = tpu.memref_slice %arg11[%mul3A_22, %dma_start3A_61] : memref<10240x128xf32, #tpu.memory_space<vmem_shared>> -> memref<640x128xf32, #tpu.memory_space<vmem_shared>>
      tpu.enqueue_dma source(%dma_start3A_62 : memref<640x128xf32, #tpu.memory_space<vmem_shared>>) target(%dma_start3A_60 : memref<640x128xf32, #tpu.memory_space<hbm>>) target_semaphore(%run_scoped3A : memref<!tpu.dma_semaphore, #tpu.memory_space<semaphore_mem>>)
      %dma_wait3A = arith.constant 0 : i32
      %dma_wait3A_63 = tpu.memref_slice %arg5[%arg0, %mul3A_22, %dma_wait3A] : memref<2x10240x128xf32, #tpu.memory_space<hbm>> -> memref<1x640x128xf32, #tpu.memory_space<hbm>>
      %dma_wait3A_64 = tpu.memref_squeeze %dma_wait3A_63 : memref<1x640x128xf32, #tpu.memory_space<hbm>> -> memref<640x128xf32, #tpu.memory_space<hbm>>
      %dma_wait3A_65 = arith.constant 0 : i32
      %dma_wait3A_66 = tpu.memref_slice %arg11[%mul3A_22, %dma_wait3A_65] : memref<10240x128xf32, #tpu.memory_space<vmem_shared>> -> memref<640x128xf32, #tpu.memory_space<vmem_shared>>
      tpu.wait_dma2 semaphore(%run_scoped3A : memref<!tpu.dma_semaphore, #tpu.memory_space<semaphore_mem>>) src(%dma_wait3A_66 : memref<640x128xf32, #tpu.memory_space<vmem_shared>>) dst(%dma_wait3A_64 : memref<640x128xf32, #tpu.memory_space<hbm>>)
      tpu.yield
    }) : () -> ()
    return
  }
}

#map = affine_map<(d0, d1) -> (0, 0)>
module attributes {stable_mosaic.version = 14 : i64} {
  func.func @deg_kernel(%arg0: i32, %arg1: i32, %arg2: memref<32x10000xi32, #tpu.memory_space<hbm>>, %arg3: memref<32x10000xf32, #tpu.memory_space<hbm>>, %arg4: memref<10000xi32, #tpu.memory_space<vmem>>, %arg5: memref<10000xf32, #tpu.memory_space<vmem>>) attributes {dimension_semantics = [#tpu.dimension_semantics<core_parallel>, #tpu.dimension_semantics<subcore_parallel>], iteration_bounds = array<i64: 2, 16>, scalar_prefetch = 0 : i64, scratch_operands = 2 : i64, tpu.core_type = #tpu.core_type<sc_vector_subcore>, window_params = [{transform_indices = #map}, {transform_indices = #map}]} {
    %mul3A = arith.constant 16 : i32
    %mul3A_0 = arith.muli %arg0, %mul3A : i32
    %add3A = arith.addi %mul3A_0, %arg1 : i32
    "tpu.region"() ({
      %run_scoped3A = tpu.sem_alloc : memref<!tpu.dma_semaphore, #tpu.memory_space<semaphore_mem>>
      %dma_start3A = arith.constant 0 : i32
      %dma_start3A_13 = tpu.memref_slice %arg2[%add3A, %dma_start3A] : memref<32x10000xi32, #tpu.memory_space<hbm>> -> memref<1x10000xi32, #tpu.memory_space<hbm>>
      %dma_start3A_14 = tpu.memref_squeeze %dma_start3A_13 : memref<1x10000xi32, #tpu.memory_space<hbm>> -> memref<10000xi32, #tpu.memory_space<hbm>>
      %dma_start3A_15 = arith.constant 0 : i32
      %dma_start3A_16 = tpu.memref_slice %arg2[%add3A, %dma_start3A_15] : memref<32x10000xi32, #tpu.memory_space<hbm>> -> memref<1x10000xi32, #tpu.memory_space<hbm>>
      %dma_start3A_17 = tpu.memref_squeeze %dma_start3A_16 : memref<1x10000xi32, #tpu.memory_space<hbm>> -> memref<10000xi32, #tpu.memory_space<hbm>>
      tpu.enqueue_dma source(%dma_start3A_17 : memref<10000xi32, #tpu.memory_space<hbm>>) target(%arg4 : memref<10000xi32, #tpu.memory_space<vmem>>) target_semaphore(%run_scoped3A : memref<!tpu.dma_semaphore, #tpu.memory_space<semaphore_mem>>)
      %dma_wait3A = arith.constant 0 : i32
      %dma_wait3A_18 = tpu.memref_slice %arg2[%add3A, %dma_wait3A] : memref<32x10000xi32, #tpu.memory_space<hbm>> -> memref<1x10000xi32, #tpu.memory_space<hbm>>
      %dma_wait3A_19 = tpu.memref_squeeze %dma_wait3A_18 : memref<1x10000xi32, #tpu.memory_space<hbm>> -> memref<10000xi32, #tpu.memory_space<hbm>>
      %dma_wait3A_20 = arith.constant 0 : i32
      %dma_wait3A_21 = tpu.memref_slice %arg2[%add3A, %dma_wait3A_20] : memref<32x10000xi32, #tpu.memory_space<hbm>> -> memref<1x10000xi32, #tpu.memory_space<hbm>>
      %dma_wait3A_22 = tpu.memref_squeeze %dma_wait3A_21 : memref<1x10000xi32, #tpu.memory_space<hbm>> -> memref<10000xi32, #tpu.memory_space<hbm>>
      tpu.wait_dma2 semaphore(%run_scoped3A : memref<!tpu.dma_semaphore, #tpu.memory_space<semaphore_mem>>) src(%dma_wait3A_22 : memref<10000xi32, #tpu.memory_space<hbm>>) dst(%arg4 : memref<10000xi32, #tpu.memory_space<vmem>>)
      tpu.yield
    }) : () -> ()
    %scan3A = arith.constant 0 : i32
    %scan3A_1 = arith.constant 0 : i32
    %scan3A_2 = arith.constant 625 : i32
    %scan3A_3 = arith.addi %scan3A_1, %scan3A_2 : i32
    %scan3A_4 = arith.constant 1 : i32
    scf.for %scan3A_13 = %scan3A_1 to %scan3A_3 step %scan3A_4  : i32 {
      %broadcast_in_dim3A_14 = arith.constant 0.000000e+00 : f32
      %broadcast_in_dim3A_15 = vector.broadcast %broadcast_in_dim3A_14 : f32 to vector<16xf32>
      %mul3A_16 = arith.constant 16 : i32
      %mul3A_17 = arith.muli %scan3A_13, %mul3A_16 : i32
      %swap3A = arith.index_cast %mul3A_17 : i32 to index
      %swap3A_18 = tpu.vector_load %arg5[%swap3A] {strides = array<i32>} : memref<10000xf32, #tpu.memory_space<vmem>>, vector<16xf32>,
      tpu.vector_store %arg5[%swap3A], %broadcast_in_dim3A_15 {strides = array<i32>} : memref<10000xf32, #tpu.memory_space<vmem>>, vector<16xf32>,
    }
    %scan3A_5 = arith.constant 625 : i32
    %broadcast_in_dim3A = arith.constant 1.000000e+00 : f32
    %broadcast_in_dim3A_6 = vector.broadcast %broadcast_in_dim3A : f32 to vector<16xf32>
    %scan3A_7 = arith.constant 0 : i32
    %scan3A_8 = arith.constant 0 : i32
    %scan3A_9 = arith.constant 625 : i32
    %scan3A_10 = arith.addi %scan3A_8, %scan3A_9 : i32
    %scan3A_11 = arith.constant 1 : i32
    scf.for %scan3A_13 = %scan3A_8 to %scan3A_10 step %scan3A_11  : i32 {
      %mul3A_14 = arith.constant 16 : i32
      %mul3A_15 = arith.muli %scan3A_13, %mul3A_14 : i32
      %get3A = arith.index_cast %mul3A_15 : i32 to index
      %get3A_16 = tpu.vector_load %arg4[%get3A] {strides = array<i32>} : memref<10000xi32, #tpu.memory_space<vmem>>, vector<16xi32>,
      tpu.vector_store_idx %arg5[%get3A_16], %broadcast_in_dim3A_6 {add = true} : memref<10000xf32, #tpu.memory_space<vmem>>[vector<16xi32>], vector<16xf32>,
    }
    %scan3A_12 = arith.constant 625 : i32
    "tpu.region"() ({
      %run_scoped3A = tpu.sem_alloc : memref<!tpu.dma_semaphore, #tpu.memory_space<semaphore_mem>>
      %dma_start3A = arith.constant 0 : i32
      %dma_start3A_13 = tpu.memref_slice %arg3[%add3A, %dma_start3A] : memref<32x10000xf32, #tpu.memory_space<hbm>> -> memref<1x10000xf32, #tpu.memory_space<hbm>>
      %dma_start3A_14 = tpu.memref_squeeze %dma_start3A_13 : memref<1x10000xf32, #tpu.memory_space<hbm>> -> memref<10000xf32, #tpu.memory_space<hbm>>
      %dma_start3A_15 = arith.constant 0 : i32
      %dma_start3A_16 = tpu.memref_slice %arg3[%add3A, %dma_start3A_15] : memref<32x10000xf32, #tpu.memory_space<hbm>> -> memref<1x10000xf32, #tpu.memory_space<hbm>>
      %dma_start3A_17 = tpu.memref_squeeze %dma_start3A_16 : memref<1x10000xf32, #tpu.memory_space<hbm>> -> memref<10000xf32, #tpu.memory_space<hbm>>
      tpu.enqueue_dma source(%arg5 : memref<10000xf32, #tpu.memory_space<vmem>>) target(%dma_start3A_17 : memref<10000xf32, #tpu.memory_space<hbm>>) target_semaphore(%run_scoped3A : memref<!tpu.dma_semaphore, #tpu.memory_space<semaphore_mem>>)
      %dma_wait3A = arith.constant 0 : i32
      %dma_wait3A_18 = tpu.memref_slice %arg3[%add3A, %dma_wait3A] : memref<32x10000xf32, #tpu.memory_space<hbm>> -> memref<1x10000xf32, #tpu.memory_space<hbm>>
      %dma_wait3A_19 = tpu.memref_squeeze %dma_wait3A_18 : memref<1x10000xf32, #tpu.memory_space<hbm>> -> memref<10000xf32, #tpu.memory_space<hbm>>
      %dma_wait3A_20 = arith.constant 0 : i32
      %dma_wait3A_21 = tpu.memref_slice %arg3[%add3A, %dma_wait3A_20] : memref<32x10000xf32, #tpu.memory_space<hbm>> -> memref<1x10000xf32, #tpu.memory_space<hbm>>
      %dma_wait3A_22 = tpu.memref_squeeze %dma_wait3A_21 : memref<1x10000xf32, #tpu.memory_space<hbm>> -> memref<10000xf32, #tpu.memory_space<hbm>>
      tpu.wait_dma2 semaphore(%run_scoped3A : memref<!tpu.dma_semaphore, #tpu.memory_space<semaphore_mem>>) src(%arg5 : memref<10000xf32, #tpu.memory_space<vmem>>) dst(%dma_wait3A_22 : memref<10000xf32, #tpu.memory_space<hbm>>)
      tpu.yield
    }) : () -> ()
    return
  }
}

#map = affine_map<(d0, d1) -> (0, 0)>
#map1 = affine_map<(d0, d1) -> (0, 0, 0)>
#map2 = affine_map<(d0, d1) -> (0, 0, 0, 0)>
module attributes {stable_mosaic.version = 14 : i64} {
  func.func @agg_kernel(%arg0: i32, %arg1: i32, %arg2: memref<10000x128xf32, #tpu.memory_space<hbm>>, %arg3: memref<32x80x125xi32, #tpu.memory_space<hbm>>, %arg4: memref<32x80x1x125xi32, #tpu.memory_space<hbm>>, %arg5: memref<2x10240x128xf32, #tpu.memory_space<hbm>>, %arg6: memref<80x125xi32, #tpu.memory_space<vmem>>, %arg7: memref<1x125xi32, #tpu.memory_space<vmem>>, %arg8: memref<1x125xi32, #tpu.memory_space<vmem>>, %arg9: memref<125x128xf32, #tpu.memory_space<vmem>>, %arg10: memref<125x128xf32, #tpu.memory_space<vmem>>, %arg11: memref<10240x128xf32, #tpu.memory_space<vmem_shared>>, %arg12: memref<!tpu.dma_semaphore, #tpu.memory_space<semaphore_mem>>, %arg13: memref<!tpu.dma_semaphore, #tpu.memory_space<semaphore_mem>>, %arg14: memref<!tpu.dma_semaphore, #tpu.memory_space<semaphore_mem>>, %arg15: memref<!tpu.dma_semaphore, #tpu.memory_space<semaphore_mem>>, %arg16: memref<!tpu.dma_semaphore, #tpu.memory_space<semaphore_mem>>) attributes {dimension_semantics = [#tpu.dimension_semantics<core_parallel>, #tpu.dimension_semantics<subcore_parallel>], iteration_bounds = array<i64: 2, 16>, scalar_prefetch = 0 : i64, scratch_operands = 11 : i64, tpu.core_type = #tpu.core_type<sc_vector_subcore>, window_params = [{transform_indices = #map}, {transform_indices = #map1}, {transform_indices = #map2}, {transform_indices = #map1}]} {
    %mul3A = arith.constant 16 : i32
    %mul3A_0 = arith.muli %arg0, %mul3A : i32
    %add3A = arith.addi %mul3A_0, %arg1 : i32
    "tpu.region"() ({
      %run_scoped3A = tpu.sem_alloc : memref<!tpu.dma_semaphore, #tpu.memory_space<semaphore_mem>>
      %dma_start3A_58 = arith.constant 0 : i32
      %dma_start3A_59 = arith.constant 0 : i32
      %dma_start3A_60 = tpu.memref_slice %arg3[%add3A, %dma_start3A_58, %dma_start3A_59] : memref<32x80x125xi32, #tpu.memory_space<hbm>> -> memref<1x80x125xi32, #tpu.memory_space<hbm>>
      %dma_start3A_61 = tpu.memref_squeeze %dma_start3A_60 : memref<1x80x125xi32, #tpu.memory_space<hbm>> -> memref<80x125xi32, #tpu.memory_space<hbm>>
      %dma_start3A_62 = arith.constant 0 : i32
      %dma_start3A_63 = arith.constant 0 : i32
      %dma_start3A_64 = tpu.memref_slice %arg3[%add3A, %dma_start3A_62, %dma_start3A_63] : memref<32x80x125xi32, #tpu.memory_space<hbm>> -> memref<1x80x125xi32, #tpu.memory_space<hbm>>
      %dma_start3A_65 = tpu.memref_squeeze %dma_start3A_64 : memref<1x80x125xi32, #tpu.memory_space<hbm>> -> memref<80x125xi32, #tpu.memory_space<hbm>>
      tpu.enqueue_dma source(%dma_start3A_65 : memref<80x125xi32, #tpu.memory_space<hbm>>) target(%arg6 : memref<80x125xi32, #tpu.memory_space<vmem>>) target_semaphore(%run_scoped3A : memref<!tpu.dma_semaphore, #tpu.memory_space<semaphore_mem>>)
      %dma_wait3A = arith.constant 0 : i32
      %dma_wait3A_66 = arith.constant 0 : i32
      %dma_wait3A_67 = tpu.memref_slice %arg3[%add3A, %dma_wait3A, %dma_wait3A_66] : memref<32x80x125xi32, #tpu.memory_space<hbm>> -> memref<1x80x125xi32, #tpu.memory_space<hbm>>
      %dma_wait3A_68 = tpu.memref_squeeze %dma_wait3A_67 : memref<1x80x125xi32, #tpu.memory_space<hbm>> -> memref<80x125xi32, #tpu.memory_space<hbm>>
      %dma_wait3A_69 = arith.constant 0 : i32
      %dma_wait3A_70 = arith.constant 0 : i32
      %dma_wait3A_71 = tpu.memref_slice %arg3[%add3A, %dma_wait3A_69, %dma_wait3A_70] : memref<32x80x125xi32, #tpu.memory_space<hbm>> -> memref<1x80x125xi32, #tpu.memory_space<hbm>>
      %dma_wait3A_72 = tpu.memref_squeeze %dma_wait3A_71 : memref<1x80x125xi32, #tpu.memory_space<hbm>> -> memref<80x125xi32, #tpu.memory_space<hbm>>
      tpu.wait_dma2 semaphore(%run_scoped3A : memref<!tpu.dma_semaphore, #tpu.memory_space<semaphore_mem>>) src(%dma_wait3A_72 : memref<80x125xi32, #tpu.memory_space<hbm>>) dst(%arg6 : memref<80x125xi32, #tpu.memory_space<vmem>>)
      tpu.yield
    }) : () -> ()
    %dma_start3A = arith.constant 0 : i32
    %dma_start3A_1 = arith.constant 0 : i32
    %dma_start3A_2 = arith.constant 0 : i32
    %dma_start3A_3 = tpu.memref_slice %arg4[%add3A, %dma_start3A, %dma_start3A_1, %dma_start3A_2] : memref<32x80x1x125xi32, #tpu.memory_space<hbm>> -> memref<1x1x1x125xi32, #tpu.memory_space<hbm>>
    %dma_start3A_4 = tpu.memref_squeeze %dma_start3A_3 : memref<1x1x1x125xi32, #tpu.memory_space<hbm>> -> memref<1x125xi32, #tpu.memory_space<hbm>>
    %dma_start3A_5 = arith.constant 0 : i32
    %dma_start3A_6 = arith.constant 0 : i32
    %dma_start3A_7 = tpu.memref_slice %arg4[%add3A, %dma_start3A, %dma_start3A_5, %dma_start3A_6] : memref<32x80x1x125xi32, #tpu.memory_space<hbm>> -> memref<1x1x1x125xi32, #tpu.memory_space<hbm>>
    %dma_start3A_8 = tpu.memref_squeeze %dma_start3A_7 : memref<1x1x1x125xi32, #tpu.memory_space<hbm>> -> memref<1x125xi32, #tpu.memory_space<hbm>>
    tpu.enqueue_dma source(%dma_start3A_8 : memref<1x125xi32, #tpu.memory_space<hbm>>) target(%arg7 : memref<1x125xi32, #tpu.memory_space<vmem>>) target_semaphore(%arg14 : memref<!tpu.dma_semaphore, #tpu.memory_space<semaphore_mem>>)
    %dma_start3A_9 = arith.constant 0 : i32
    %dma_start3A_10 = arith.constant 0 : i32
    %dma_start3A_11 = tpu.memref_slice %arg6[%dma_start3A_9, %dma_start3A_10] : memref<80x125xi32, #tpu.memory_space<vmem>> -> memref<1x125xi32, #tpu.memory_space<vmem>>
    %dma_start3A_12 = tpu.memref_squeeze %dma_start3A_11 : memref<1x125xi32, #tpu.memory_space<vmem>> -> memref<125xi32, #tpu.memory_space<vmem>>
    %dma_start3A_13 = arith.constant 0 : i32
    %dma_start3A_14 = arith.constant 0 : i32
    %dma_start3A_15 = tpu.memref_slice %arg2[%dma_start3A_13, %dma_start3A_14] : memref<10000x128xf32, #tpu.memory_space<hbm>> -> memref<10000x128xf32, #tpu.memory_space<hbm>>
    tpu.enqueue_indirect_dma source(%dma_start3A_15 : memref<10000x128xf32, #tpu.memory_space<hbm>>) target(%arg9 : memref<125x128xf32, #tpu.memory_space<vmem>>) offsets(%dma_start3A_12 : memref<125xi32, #tpu.memory_space<vmem>>) semaphore(%arg12 : memref<!tpu.dma_semaphore, #tpu.memory_space<semaphore_mem>>)
    %scan3A = arith.constant 0 : i32
    %scan3A_16 = arith.constant 0 : i32
    %scan3A_17 = arith.constant 640 : i32
    %scan3A_18 = arith.addi %scan3A_16, %scan3A_17 : i32
    %scan3A_19 = arith.constant 1 : i32
    scf.for %scan3A_58 = %scan3A_16 to %scan3A_18 step %scan3A_19  : i32 {
      %jit3A = arith.constant 8 : i32
      %div3A = arith.divsi %scan3A_58, %jit3A : i32
      %sign3A = arith.constant 0 : i32
      %sign3A_59 = arith.cmpi sgt, %scan3A_58, %sign3A : i32
      %sign3A_60 = arith.extui %sign3A_59 : i1 to i32
      %sign3A_61 = arith.constant 0 : i32
      %sign3A_62 = arith.cmpi slt, %scan3A_58, %sign3A_61 : i32
      %sign3A_63 = arith.extui %sign3A_62 : i1 to i32
      %sign3A_64 = arith.subi %sign3A_60, %sign3A_63 : i32
      %sign3A_65 = arith.constant 0 : i32
      %sign3A_66 = arith.cmpi sgt, %jit3A, %sign3A_65 : i32
      %sign3A_67 = arith.extui %sign3A_66 : i1 to i32
      %sign3A_68 = arith.constant 0 : i32
      %sign3A_69 = arith.cmpi slt, %jit3A, %sign3A_68 : i32
      %sign3A_70 = arith.extui %sign3A_69 : i1 to i32
      %sign3A_71 = arith.subi %sign3A_67, %sign3A_70 : i32
      %ne3A = arith.cmpi ne, %sign3A_64, %sign3A_71 : i32
      %rem3A = arith.remsi %scan3A_58, %jit3A : i32
      %ne3A_72 = arith.constant 0 : i32
      %ne3A_73 = arith.cmpi ne, %rem3A, %ne3A_72 : i32
      %and3A = arith.andi %ne3A, %ne3A_73 : i1
      %sub3A = arith.constant 1 : i32
      %sub3A_74 = arith.subi %div3A, %sub3A : i32
      %select_n3A = arith.select %and3A, %sub3A_74, %div3A : i32
      %jit3A_75 = arith.constant 8 : i32
      %eq3A = arith.constant 0 : i32
      %eq3A_76 = arith.cmpi eq, %jit3A_75, %eq3A : i32
      %jit3A_77 = arith.constant 1 : i32
      %select_n3A_78 = arith.select %eq3A_76, %jit3A_77, %jit3A_75 : i32
      %rem3A_79 = arith.remsi %scan3A_58, %select_n3A_78 : i32
      %ne3A_80 = arith.constant 0 : i32
      %ne3A_81 = arith.cmpi ne, %rem3A_79, %ne3A_80 : i32
      %lt3A = arith.constant 0 : i32
      %lt3A_82 = arith.cmpi slt, %rem3A_79, %lt3A : i32
      %lt3A_83 = arith.constant 0 : i32
      %lt3A_84 = arith.cmpi slt, %select_n3A_78, %lt3A_83 : i32
      %ne3A_85 = arith.xori %lt3A_82, %lt3A_84 : i1
      %and3A_86 = arith.andi %ne3A_85, %ne3A_81 : i1
      %add3A_87 = arith.addi %rem3A_79, %select_n3A_78 : i32
      %select_n3A_88 = arith.select %and3A_86, %add3A_87, %rem3A_79 : i32
      %broadcast_in_dim3A = arith.constant 0.000000e+00 : f32
      %broadcast_in_dim3A_89 = vector.broadcast %broadcast_in_dim3A : f32 to vector<16xf32>
      %mul3A_90 = arith.constant 16 : i32
      %mul3A_91 = arith.muli %select_n3A_88, %mul3A_90 : i32
      %swap3A = arith.index_cast %select_n3A : i32 to index
      %swap3A_92 = arith.index_cast %mul3A_91 : i32 to index
      %swap3A_93 = tpu.vector_load %arg10[%swap3A, %swap3A_92] {strides = array<i32>} : memref<125x128xf32, #tpu.memory_space<vmem>>, vector<1x16xf32>,
      %swap3A_94 = vector.shape_cast %swap3A_93 : vector<1x16xf32> to vector<16xf32>
      %swap3A_95 = vector.shape_cast %broadcast_in_dim3A_89 : vector<16xf32> to vector<1x16xf32>
      tpu.vector_store %arg10[%swap3A, %swap3A_92], %swap3A_95 {strides = array<i32>} : memref<125x128xf32, #tpu.memory_space<vmem>>, vector<1x16xf32>,
    }
    %scan3A_20 = arith.constant 640 : i32
    %mul3A_21 = arith.constant 640 : i32
    %mul3A_22 = arith.muli %arg1, %mul3A_21 : i32
    %scan3A_23 = arith.constant 0 : i32
    %scan3A_24 = arith.constant 0 : i32
    %scan3A_25 = arith.constant 8 : i32
    %scan3A_26 = arith.addi %scan3A_24, %scan3A_25 : i32
    %scan3A_27 = arith.constant 1 : i32
    scf.for %scan3A_58 = %scan3A_24 to %scan3A_26 step %scan3A_27  : i32 {
      %mul3A_59 = arith.constant 80 : i32
      %mul3A_60 = arith.muli %scan3A_58, %mul3A_59 : i32
      %add3A_61 = arith.addi %mul3A_22, %mul3A_60 : i32
      %multiple_of3A = tpu.assume_multiple %add3A_61, 8 : i32
      %dma_start3A_62 = arith.constant 0 : i32
      %dma_start3A_63 = arith.constant 0 : i32
      %dma_start3A_64 = tpu.memref_slice %arg10[%dma_start3A_62, %dma_start3A_63] : memref<125x128xf32, #tpu.memory_space<vmem>> -> memref<80x128xf32, #tpu.memory_space<vmem>>
      %dma_start3A_65 = arith.constant 0 : i32
      %dma_start3A_66 = tpu.memref_slice %arg11[%multiple_of3A, %dma_start3A_65] : memref<10240x128xf32, #tpu.memory_space<vmem_shared>> -> memref<80x128xf32, #tpu.memory_space<vmem_shared>>
      %dma_start3A_67 = arith.constant 0 : i32
      %dma_start3A_68 = tpu.memref_slice %arg11[%multiple_of3A, %dma_start3A_67] : memref<10240x128xf32, #tpu.memory_space<vmem_shared>> -> memref<80x128xf32, #tpu.memory_space<vmem_shared>>
      %dma_start3A_69 = arith.constant 0 : i32
      %dma_start3A_70 = arith.constant 0 : i32
      %dma_start3A_71 = tpu.memref_slice %arg10[%dma_start3A_69, %dma_start3A_70] : memref<125x128xf32, #tpu.memory_space<vmem>> -> memref<80x128xf32, #tpu.memory_space<vmem>>
      tpu.enqueue_dma source(%dma_start3A_71 : memref<80x128xf32, #tpu.memory_space<vmem>>) target(%dma_start3A_68 : memref<80x128xf32, #tpu.memory_space<vmem_shared>>) target_semaphore(%arg16 : memref<!tpu.dma_semaphore, #tpu.memory_space<semaphore_mem>>)
    }
    %scan3A_28 = arith.constant 8 : i32
    %scan3A_29 = arith.constant 0 : i32
    %scan3A_30 = arith.constant 0 : i32
    %scan3A_31 = arith.constant 8 : i32
    %scan3A_32 = arith.addi %scan3A_30, %scan3A_31 : i32
    %scan3A_33 = arith.constant 1 : i32
    scf.for %scan3A_58 = %scan3A_30 to %scan3A_32 step %scan3A_33  : i32 {
      %dma_wait3A = arith.constant 0 : i32
      %dma_wait3A_59 = arith.constant 0 : i32
      %dma_wait3A_60 = tpu.memref_slice %arg10[%dma_wait3A, %dma_wait3A_59] : memref<125x128xf32, #tpu.memory_space<vmem>> -> memref<80x128xf32, #tpu.memory_space<vmem>>
      %dma_wait3A_61 = arith.constant 0 : i32
      %dma_wait3A_62 = tpu.memref_slice %arg11[%mul3A_22, %dma_wait3A_61] : memref<10240x128xf32, #tpu.memory_space<vmem_shared>> -> memref<80x128xf32, #tpu.memory_space<vmem_shared>>
      %dma_wait3A_63 = arith.constant 0 : i32
      %dma_wait3A_64 = tpu.memref_slice %arg11[%mul3A_22, %dma_wait3A_63] : memref<10240x128xf32, #tpu.memory_space<vmem_shared>> -> memref<80x128xf32, #tpu.memory_space<vmem_shared>>
      %dma_wait3A_65 = arith.constant 0 : i32
      %dma_wait3A_66 = arith.constant 0 : i32
      %dma_wait3A_67 = tpu.memref_slice %arg10[%dma_wait3A_65, %dma_wait3A_66] : memref<125x128xf32, #tpu.memory_space<vmem>> -> memref<80x128xf32, #tpu.memory_space<vmem>>
      tpu.wait_dma2 semaphore(%arg16 : memref<!tpu.dma_semaphore, #tpu.memory_space<semaphore_mem>>) src(%dma_wait3A_67 : memref<80x128xf32, #tpu.memory_space<vmem>>) dst(%dma_wait3A_64 : memref<80x128xf32, #tpu.memory_space<vmem_shared>>)
    }
    %scan3A_34 = arith.constant 8 : i32
    %barrier3A = arith.constant 0 : index
    tpu.barrier barrier_id(%barrier3A)
    %dma_start3A_35 = arith.constant 1 : i32
    %dma_start3A_36 = arith.constant 0 : i32
    %dma_start3A_37 = arith.constant 0 : i32
    %dma_start3A_38 = tpu.memref_slice %arg4[%add3A, %dma_start3A_35, %dma_start3A_36, %dma_start3A_37] : memref<32x80x1x125xi32, #tpu.memory_space<hbm>> -> memref<1x1x1x125xi32, #tpu.memory_space<hbm>>
    %dma_start3A_39 = tpu.memref_squeeze %dma_start3A_38 : memref<1x1x1x125xi32, #tpu.memory_space<hbm>> -> memref<1x125xi32, #tpu.memory_space<hbm>>
    %dma_start3A_40 = arith.constant 0 : i32
    %dma_start3A_41 = arith.constant 0 : i32
    %dma_start3A_42 = tpu.memref_slice %arg4[%add3A, %dma_start3A_35, %dma_start3A_40, %dma_start3A_41] : memref<32x80x1x125xi32, #tpu.memory_space<hbm>> -> memref<1x1x1x125xi32, #tpu.memory_space<hbm>>
    %dma_start3A_43 = tpu.memref_squeeze %dma_start3A_42 : memref<1x1x1x125xi32, #tpu.memory_space<hbm>> -> memref<1x125xi32, #tpu.memory_space<hbm>>
    tpu.enqueue_dma source(%dma_start3A_43 : memref<1x125xi32, #tpu.memory_space<hbm>>) target(%arg8 : memref<1x125xi32, #tpu.memory_space<vmem>>) target_semaphore(%arg15 : memref<!tpu.dma_semaphore, #tpu.memory_space<semaphore_mem>>)
    %dma_start3A_44 = arith.constant 1 : i32
    %dma_start3A_45 = arith.constant 0 : i32
    %dma_start3A_46 = tpu.memref_slice %arg6[%dma_start3A_44, %dma_start3A_45] : memref<80x125xi32, #tpu.memory_space<vmem>> -> memref<1x125xi32, #tpu.memory_space<vmem>>
    %dma_start3A_47 = tpu.memref_squeeze %dma_start3A_46 : memref<1x125xi32, #tpu.memory_space<vmem>> -> memref<125xi32, #tpu.memory_space<vmem>>
    %dma_start3A_48 = arith.constant 0 : i32
    %dma_start3A_49 = arith.constant 0 : i32
    %dma_start3A_50 = tpu.memref_slice %arg2[%dma_start3A_48, %dma_start3A_49] : memref<10000x128xf32, #tpu.memory_space<hbm>> -> memref<10000x128xf32, #tpu.memory_space<hbm>>
    tpu.enqueue_indirect_dma source(%dma_start3A_50 : memref<10000x128xf32, #tpu.memory_space<hbm>>) target(%arg10 : memref<125x128xf32, #tpu.memory_space<vmem>>) offsets(%dma_start3A_47 : memref<125xi32, #tpu.memory_space<vmem>>) semaphore(%arg13 : memref<!tpu.dma_semaphore, #tpu.memory_space<semaphore_mem>>)
    %scan3A_51 = arith.constant 0 : i32
    %scan3A_52 = arith.constant 0 : i32
    %scan3A_53 = arith.constant 40 : i32
    %scan3A_54 = arith.addi %scan3A_52, %scan3A_53 : i32
    %scan3A_55 = arith.constant 1 : i32
    scf.for %scan3A_58 = %scan3A_52 to %scan3A_54 step %scan3A_55  : i32 {
      %mul3A_59 = arith.constant 2 : i32
      %mul3A_60 = arith.muli %mul3A_59, %scan3A_58 : i32
      %dma_wait3A = arith.constant 0 : i32
      %dma_wait3A_61 = tpu.memref_slice %arg6[%mul3A_60, %dma_wait3A] : memref<80x125xi32, #tpu.memory_space<vmem>> -> memref<1x125xi32, #tpu.memory_space<vmem>>
      %dma_wait3A_62 = tpu.memref_squeeze %dma_wait3A_61 : memref<1x125xi32, #tpu.memory_space<vmem>> -> memref<125xi32, #tpu.memory_space<vmem>>
      %dma_wait3A_63 = arith.constant 0 : i32
      %dma_wait3A_64 = arith.constant 0 : i32
      %dma_wait3A_65 = tpu.memref_slice %arg2[%dma_wait3A_63, %dma_wait3A_64] : memref<10000x128xf32, #tpu.memory_space<hbm>> -> memref<10000x128xf32, #tpu.memory_space<hbm>>
      tpu.wait_indirect_dma semaphore(%arg12 : memref<!tpu.dma_semaphore, #tpu.memory_space<semaphore_mem>>) src(%dma_wait3A_65 : memref<10000x128xf32, #tpu.memory_space<hbm>>) dst(%arg9 : memref<125x128xf32, #tpu.memory_space<vmem>>)
      %dma_wait3A_66 = arith.constant 0 : i32
      %dma_wait3A_67 = arith.constant 0 : i32
      %dma_wait3A_68 = tpu.memref_slice %arg4[%add3A, %mul3A_60, %dma_wait3A_66, %dma_wait3A_67] : memref<32x80x1x125xi32, #tpu.memory_space<hbm>> -> memref<1x1x1x125xi32, #tpu.memory_space<hbm>>
      %dma_wait3A_69 = tpu.memref_squeeze %dma_wait3A_68 : memref<1x1x1x125xi32, #tpu.memory_space<hbm>> -> memref<1x125xi32, #tpu.memory_space<hbm>>
      %dma_wait3A_70 = arith.constant 0 : i32
      %dma_wait3A_71 = arith.constant 0 : i32
      %dma_wait3A_72 = tpu.memref_slice %arg4[%add3A, %mul3A_60, %dma_wait3A_70, %dma_wait3A_71] : memref<32x80x1x125xi32, #tpu.memory_space<hbm>> -> memref<1x1x1x125xi32, #tpu.memory_space<hbm>>
      %dma_wait3A_73 = tpu.memref_squeeze %dma_wait3A_72 : memref<1x1x1x125xi32, #tpu.memory_space<hbm>> -> memref<1x125xi32, #tpu.memory_space<hbm>>
      tpu.wait_dma2 semaphore(%arg14 : memref<!tpu.dma_semaphore, #tpu.memory_space<semaphore_mem>>) src(%dma_wait3A_73 : memref<1x125xi32, #tpu.memory_space<hbm>>) dst(%arg7 : memref<1x125xi32, #tpu.memory_space<vmem>>)
      %run_scoped3A = arith.constant 0 : i32
      "tpu.region"() ({
        %run_scoped3A_104 = tpu.sem_alloc : memref<!tpu.dma_semaphore, #tpu.memory_space<semaphore_mem>>
        %dma_start3A_105 = arith.constant 0 : i32
        %dma_start3A_106 = tpu.memref_slice %arg7[%run_scoped3A, %dma_start3A_105] : memref<1x125xi32, #tpu.memory_space<vmem>> -> memref<1x125xi32, #tpu.memory_space<vmem>>
        %dma_start3A_107 = tpu.memref_squeeze %dma_start3A_106 : memref<1x125xi32, #tpu.memory_space<vmem>> -> memref<125xi32, #tpu.memory_space<vmem>>
        %dma_start3A_108 = arith.constant 0 : i32
        %dma_start3A_109 = arith.constant 0 : i32
        %dma_start3A_110 = tpu.memref_slice %arg11[%dma_start3A_108, %dma_start3A_109] : memref<10240x128xf32, #tpu.memory_space<vmem_shared>> -> memref<10240x128xf32, #tpu.memory_space<vmem_shared>>
        tpu.enqueue_indirect_dma source(%arg9 : memref<125x128xf32, #tpu.memory_space<vmem>>) target(%dma_start3A_110 : memref<10240x128xf32, #tpu.memory_space<vmem_shared>>) offsets(%dma_start3A_107 : memref<125xi32, #tpu.memory_space<vmem>>) semaphore(%run_scoped3A_104 : memref<!tpu.dma_semaphore, #tpu.memory_space<semaphore_mem>>) {add = true}
        %dma_wait3A_111 = arith.constant 0 : i32
        %dma_wait3A_112 = tpu.memref_slice %arg7[%run_scoped3A, %dma_wait3A_111] : memref<1x125xi32, #tpu.memory_space<vmem>> -> memref<1x125xi32, #tpu.memory_space<vmem>>
        %dma_wait3A_113 = tpu.memref_squeeze %dma_wait3A_112 : memref<1x125xi32, #tpu.memory_space<vmem>> -> memref<125xi32, #tpu.memory_space<vmem>>
        %dma_wait3A_114 = arith.constant 0 : i32
        %dma_wait3A_115 = arith.constant 0 : i32
        %dma_wait3A_116 = tpu.memref_slice %arg11[%dma_wait3A_114, %dma_wait3A_115] : memref<10240x128xf32, #tpu.memory_space<vmem_shared>> -> memref<10240x128xf32, #tpu.memory_space<vmem_shared>>
        tpu.wait_indirect_dma semaphore(%run_scoped3A_104 : memref<!tpu.dma_semaphore, #tpu.memory_space<semaphore_mem>>) src(%arg9 : memref<125x128xf32, #tpu.memory_space<vmem>>) dst(%dma_wait3A_116 : memref<10240x128xf32, #tpu.memory_space<vmem_shared>>)
        tpu.yield
      }) : () -> ()
      %add3A_74 = arith.constant 1 : i32
      %add3A_75 = arith.addi %scan3A_58, %add3A_74 : i32
      %lt3A = arith.constant 40 : i32
      %lt3A_76 = arith.cmpi slt, %add3A_75, %lt3A : i32
      %convert_element_type3A = arith.extui %lt3A_76 : i1 to i32
      %cond3A = arith.constant 0 : i32
      %cond3A_77 = arith.cmpi ne, %convert_element_type3A, %cond3A : i32
      scf.if %cond3A_77 {
        %add3A_104 = arith.constant 2 : i32
        %add3A_105 = arith.addi %mul3A_60, %add3A_104 : i32
        %dma_start3A_106 = arith.constant 0 : i32
        %dma_start3A_107 = arith.constant 0 : i32
        %dma_start3A_108 = tpu.memref_slice %arg4[%add3A, %add3A_105, %dma_start3A_106, %dma_start3A_107] : memref<32x80x1x125xi32, #tpu.memory_space<hbm>> -> memref<1x1x1x125xi32, #tpu.memory_space<hbm>>
        %dma_start3A_109 = tpu.memref_squeeze %dma_start3A_108 : memref<1x1x1x125xi32, #tpu.memory_space<hbm>> -> memref<1x125xi32, #tpu.memory_space<hbm>>
        %dma_start3A_110 = arith.constant 0 : i32
        %dma_start3A_111 = arith.constant 0 : i32
        %dma_start3A_112 = tpu.memref_slice %arg4[%add3A, %add3A_105, %dma_start3A_110, %dma_start3A_111] : memref<32x80x1x125xi32, #tpu.memory_space<hbm>> -> memref<1x1x1x125xi32, #tpu.memory_space<hbm>>
        %dma_start3A_113 = tpu.memref_squeeze %dma_start3A_112 : memref<1x1x1x125xi32, #tpu.memory_space<hbm>> -> memref<1x125xi32, #tpu.memory_space<hbm>>
        tpu.enqueue_dma source(%dma_start3A_113 : memref<1x125xi32, #tpu.memory_space<hbm>>) target(%arg7 : memref<1x125xi32, #tpu.memory_space<vmem>>) target_semaphore(%arg14 : memref<!tpu.dma_semaphore, #tpu.memory_space<semaphore_mem>>)
        %add3A_114 = arith.constant 2 : i32
        %add3A_115 = arith.addi %mul3A_60, %add3A_114 : i32
        %dma_start3A_116 = arith.constant 0 : i32
        %dma_start3A_117 = tpu.memref_slice %arg6[%add3A_115, %dma_start3A_116] : memref<80x125xi32, #tpu.memory_space<vmem>> -> memref<1x125xi32, #tpu.memory_space<vmem>>
        %dma_start3A_118 = tpu.memref_squeeze %dma_start3A_117 : memref<1x125xi32, #tpu.memory_space<vmem>> -> memref<125xi32, #tpu.memory_space<vmem>>
        %dma_start3A_119 = arith.constant 0 : i32
        %dma_start3A_120 = arith.constant 0 : i32
        %dma_start3A_121 = tpu.memref_slice %arg2[%dma_start3A_119, %dma_start3A_120] : memref<10000x128xf32, #tpu.memory_space<hbm>> -> memref<10000x128xf32, #tpu.memory_space<hbm>>
        tpu.enqueue_indirect_dma source(%dma_start3A_121 : memref<10000x128xf32, #tpu.memory_space<hbm>>) target(%arg9 : memref<125x128xf32, #tpu.memory_space<vmem>>) offsets(%dma_start3A_118 : memref<125xi32, #tpu.memory_space<vmem>>) semaphore(%arg12 : memref<!tpu.dma_semaphore, #tpu.memory_space<semaphore_mem>>)
      } else {
      }
      %add3A_78 = arith.constant 1 : i32
      %add3A_79 = arith.addi %mul3A_60, %add3A_78 : i32
      %dma_wait3A_80 = arith.constant 0 : i32
      %dma_wait3A_81 = tpu.memref_slice %arg6[%add3A_79, %dma_wait3A_80] : memref<80x125xi32, #tpu.memory_space<vmem>> -> memref<1x125xi32, #tpu.memory_space<vmem>>
      %dma_wait3A_82 = tpu.memref_squeeze %dma_wait3A_81 : memref<1x125xi32, #tpu.memory_space<vmem>> -> memref<125xi32, #tpu.memory_space<vmem>>
      %dma_wait3A_83 = arith.constant 0 : i32
      %dma_wait3A_84 = arith.constant 0 : i32
      %dma_wait3A_85 = tpu.memref_slice %arg2[%dma_wait3A_83, %dma_wait3A_84] : memref<10000x128xf32, #tpu.memory_space<hbm>> -> memref<10000x128xf32, #tpu.memory_space<hbm>>
      tpu.wait_indirect_dma semaphore(%arg13 : memref<!tpu.dma_semaphore, #tpu.memory_space<semaphore_mem>>) src(%dma_wait3A_85 : memref<10000x128xf32, #tpu.memory_space<hbm>>) dst(%arg10 : memref<125x128xf32, #tpu.memory_space<vmem>>)
      %add3A_86 = arith.constant 1 : i32
      %add3A_87 = arith.addi %mul3A_60, %add3A_86 : i32
      %dma_wait3A_88 = arith.constant 0 : i32
      %dma_wait3A_89 = arith.constant 0 : i32
      %dma_wait3A_90 = tpu.memref_slice %arg4[%add3A, %add3A_87, %dma_wait3A_88, %dma_wait3A_89] : memref<32x80x1x125xi32, #tpu.memory_space<hbm>> -> memref<1x1x1x125xi32, #tpu.memory_space<hbm>>
      %dma_wait3A_91 = tpu.memref_squeeze %dma_wait3A_90 : memref<1x1x1x125xi32, #tpu.memory_space<hbm>> -> memref<1x125xi32, #tpu.memory_space<hbm>>
      %dma_wait3A_92 = arith.constant 0 : i32
      %dma_wait3A_93 = arith.constant 0 : i32
      %dma_wait3A_94 = tpu.memref_slice %arg4[%add3A, %add3A_87, %dma_wait3A_92, %dma_wait3A_93] : memref<32x80x1x125xi32, #tpu.memory_space<hbm>> -> memref<1x1x1x125xi32, #tpu.memory_space<hbm>>
      %dma_wait3A_95 = tpu.memref_squeeze %dma_wait3A_94 : memref<1x1x1x125xi32, #tpu.memory_space<hbm>> -> memref<1x125xi32, #tpu.memory_space<hbm>>
      tpu.wait_dma2 semaphore(%arg15 : memref<!tpu.dma_semaphore, #tpu.memory_space<semaphore_mem>>) src(%dma_wait3A_95 : memref<1x125xi32, #tpu.memory_space<hbm>>) dst(%arg8 : memref<1x125xi32, #tpu.memory_space<vmem>>)
      %run_scoped3A_96 = arith.constant 0 : i32
      "tpu.region"() ({
        %run_scoped3A_104 = tpu.sem_alloc : memref<!tpu.dma_semaphore, #tpu.memory_space<semaphore_mem>>
        %dma_start3A_105 = arith.constant 0 : i32
        %dma_start3A_106 = tpu.memref_slice %arg8[%run_scoped3A_96, %dma_start3A_105] : memref<1x125xi32, #tpu.memory_space<vmem>> -> memref<1x125xi32, #tpu.memory_space<vmem>>
        %dma_start3A_107 = tpu.memref_squeeze %dma_start3A_106 : memref<1x125xi32, #tpu.memory_space<vmem>> -> memref<125xi32, #tpu.memory_space<vmem>>
        %dma_start3A_108 = arith.constant 0 : i32
        %dma_start3A_109 = arith.constant 0 : i32
        %dma_start3A_110 = tpu.memref_slice %arg11[%dma_start3A_108, %dma_start3A_109] : memref<10240x128xf32, #tpu.memory_space<vmem_shared>> -> memref<10240x128xf32, #tpu.memory_space<vmem_shared>>
        tpu.enqueue_indirect_dma source(%arg10 : memref<125x128xf32, #tpu.memory_space<vmem>>) target(%dma_start3A_110 : memref<10240x128xf32, #tpu.memory_space<vmem_shared>>) offsets(%dma_start3A_107 : memref<125xi32, #tpu.memory_space<vmem>>) semaphore(%run_scoped3A_104 : memref<!tpu.dma_semaphore, #tpu.memory_space<semaphore_mem>>) {add = true}
        %dma_wait3A_111 = arith.constant 0 : i32
        %dma_wait3A_112 = tpu.memref_slice %arg8[%run_scoped3A_96, %dma_wait3A_111] : memref<1x125xi32, #tpu.memory_space<vmem>> -> memref<1x125xi32, #tpu.memory_space<vmem>>
        %dma_wait3A_113 = tpu.memref_squeeze %dma_wait3A_112 : memref<1x125xi32, #tpu.memory_space<vmem>> -> memref<125xi32, #tpu.memory_space<vmem>>
        %dma_wait3A_114 = arith.constant 0 : i32
        %dma_wait3A_115 = arith.constant 0 : i32
        %dma_wait3A_116 = tpu.memref_slice %arg11[%dma_wait3A_114, %dma_wait3A_115] : memref<10240x128xf32, #tpu.memory_space<vmem_shared>> -> memref<10240x128xf32, #tpu.memory_space<vmem_shared>>
        tpu.wait_indirect_dma semaphore(%run_scoped3A_104 : memref<!tpu.dma_semaphore, #tpu.memory_space<semaphore_mem>>) src(%arg10 : memref<125x128xf32, #tpu.memory_space<vmem>>) dst(%dma_wait3A_116 : memref<10240x128xf32, #tpu.memory_space<vmem_shared>>)
        tpu.yield
      }) : () -> ()
      %add3A_97 = arith.constant 1 : i32
      %add3A_98 = arith.addi %scan3A_58, %add3A_97 : i32
      %lt3A_99 = arith.constant 40 : i32
      %lt3A_100 = arith.cmpi slt, %add3A_98, %lt3A_99 : i32
      %convert_element_type3A_101 = arith.extui %lt3A_100 : i1 to i32
      %cond3A_102 = arith.constant 0 : i32
      %cond3A_103 = arith.cmpi ne, %convert_element_type3A_101, %cond3A_102 : i32
      scf.if %cond3A_103 {
        %add3A_104 = arith.constant 3 : i32
        %add3A_105 = arith.addi %mul3A_60, %add3A_104 : i32
        %dma_start3A_106 = arith.constant 0 : i32
        %dma_start3A_107 = arith.constant 0 : i32
        %dma_start3A_108 = tpu.memref_slice %arg4[%add3A, %add3A_105, %dma_start3A_106, %dma_start3A_107] : memref<32x80x1x125xi32, #tpu.memory_space<hbm>> -> memref<1x1x1x125xi32, #tpu.memory_space<hbm>>
        %dma_start3A_109 = tpu.memref_squeeze %dma_start3A_108 : memref<1x1x1x125xi32, #tpu.memory_space<hbm>> -> memref<1x125xi32, #tpu.memory_space<hbm>>
        %dma_start3A_110 = arith.constant 0 : i32
        %dma_start3A_111 = arith.constant 0 : i32
        %dma_start3A_112 = tpu.memref_slice %arg4[%add3A, %add3A_105, %dma_start3A_110, %dma_start3A_111] : memref<32x80x1x125xi32, #tpu.memory_space<hbm>> -> memref<1x1x1x125xi32, #tpu.memory_space<hbm>>
        %dma_start3A_113 = tpu.memref_squeeze %dma_start3A_112 : memref<1x1x1x125xi32, #tpu.memory_space<hbm>> -> memref<1x125xi32, #tpu.memory_space<hbm>>
        tpu.enqueue_dma source(%dma_start3A_113 : memref<1x125xi32, #tpu.memory_space<hbm>>) target(%arg8 : memref<1x125xi32, #tpu.memory_space<vmem>>) target_semaphore(%arg15 : memref<!tpu.dma_semaphore, #tpu.memory_space<semaphore_mem>>)
        %add3A_114 = arith.constant 3 : i32
        %add3A_115 = arith.addi %mul3A_60, %add3A_114 : i32
        %dma_start3A_116 = arith.constant 0 : i32
        %dma_start3A_117 = tpu.memref_slice %arg6[%add3A_115, %dma_start3A_116] : memref<80x125xi32, #tpu.memory_space<vmem>> -> memref<1x125xi32, #tpu.memory_space<vmem>>
        %dma_start3A_118 = tpu.memref_squeeze %dma_start3A_117 : memref<1x125xi32, #tpu.memory_space<vmem>> -> memref<125xi32, #tpu.memory_space<vmem>>
        %dma_start3A_119 = arith.constant 0 : i32
        %dma_start3A_120 = arith.constant 0 : i32
        %dma_start3A_121 = tpu.memref_slice %arg2[%dma_start3A_119, %dma_start3A_120] : memref<10000x128xf32, #tpu.memory_space<hbm>> -> memref<10000x128xf32, #tpu.memory_space<hbm>>
        tpu.enqueue_indirect_dma source(%dma_start3A_121 : memref<10000x128xf32, #tpu.memory_space<hbm>>) target(%arg10 : memref<125x128xf32, #tpu.memory_space<vmem>>) offsets(%dma_start3A_118 : memref<125xi32, #tpu.memory_space<vmem>>) semaphore(%arg13 : memref<!tpu.dma_semaphore, #tpu.memory_space<semaphore_mem>>)
      } else {
      }
    }
    %scan3A_56 = arith.constant 40 : i32
    %barrier3A_57 = arith.constant 0 : index
    tpu.barrier barrier_id(%barrier3A_57)
    "tpu.region"() ({
      %run_scoped3A = tpu.sem_alloc : memref<!tpu.dma_semaphore, #tpu.memory_space<semaphore_mem>>
      %dma_start3A_58 = arith.constant 0 : i32
      %dma_start3A_59 = tpu.memref_slice %arg5[%arg0, %mul3A_22, %dma_start3A_58] : memref<2x10240x128xf32, #tpu.memory_space<hbm>> -> memref<1x640x128xf32, #tpu.memory_space<hbm>>
      %dma_start3A_60 = tpu.memref_squeeze %dma_start3A_59 : memref<1x640x128xf32, #tpu.memory_space<hbm>> -> memref<640x128xf32, #tpu.memory_space<hbm>>
      %dma_start3A_61 = arith.constant 0 : i32
      %dma_start3A_62 = tpu.memref_slice %arg11[%mul3A_22, %dma_start3A_61] : memref<10240x128xf32, #tpu.memory_space<vmem_shared>> -> memref<640x128xf32, #tpu.memory_space<vmem_shared>>
      tpu.enqueue_dma source(%dma_start3A_62 : memref<640x128xf32, #tpu.memory_space<vmem_shared>>) target(%dma_start3A_60 : memref<640x128xf32, #tpu.memory_space<hbm>>) target_semaphore(%run_scoped3A : memref<!tpu.dma_semaphore, #tpu.memory_space<semaphore_mem>>)
      %dma_wait3A = arith.constant 0 : i32
      %dma_wait3A_63 = tpu.memref_slice %arg5[%arg0, %mul3A_22, %dma_wait3A] : memref<2x10240x128xf32, #tpu.memory_space<hbm>> -> memref<1x640x128xf32, #tpu.memory_space<hbm>>
      %dma_wait3A_64 = tpu.memref_squeeze %dma_wait3A_63 : memref<1x640x128xf32, #tpu.memory_space<hbm>> -> memref<640x128xf32, #tpu.memory_space<hbm>>
      %dma_wait3A_65 = arith.constant 0 : i32
      %dma_wait3A_66 = tpu.memref_slice %arg11[%mul3A_22, %dma_wait3A_65] : memref<10240x128xf32, #tpu.memory_space<vmem_shared>> -> memref<640x128xf32, #tpu.memory_space<vmem_shared>>
      tpu.wait_dma2 semaphore(%run_scoped3A : memref<!tpu.dma_semaphore, #tpu.memory_space<semaphore_mem>>) src(%dma_wait3A_66 : memref<640x128xf32, #tpu.memory_space<vmem_shared>>) dst(%dma_wait3A_64 : memref<640x128xf32, #tpu.memory_space<hbm>>)
      tpu.yield
    }) : () -> ()
    return
  }
}

module attributes {stable_mosaic.version = 14 : i64} {
  func.func @body(%arg0: i32, %arg1: memref<2000x32xf32, #tpu.memory_space<vmem>>, %arg2: memref<2000x128xf32, #tpu.memory_space<vmem>>, %arg3: memref<128x128xf32, #tpu.memory_space<vmem>>, %arg4: memref<2000x1xf32, #tpu.memory_space<vmem>>, %arg5: memref<2000x128xf32, #tpu.memory_space<vmem>>) attributes {dimension_semantics = [#tpu.dimension_semantics<arbitrary>], iteration_bounds = array<i64: 5>, scalar_prefetch = 0 : i64, scratch_operands = 0 : i64, tpu.core_type = #tpu.core_type<tc>, window_params = [{transform_indices = @transform_0, window_bounds = array<i64: 2000, 32>}, {transform_indices = @transform_1, window_bounds = array<i64: 2000, 128>}, {pipeline_mode = #tpu.pipeline_mode<synchronous>, transform_indices = @transform_2, window_bounds = array<i64: 128, 128>}, {transform_indices = @transform_3, window_bounds = array<i64: 2000, 1>}, {transform_indices = @transform_4, window_bounds = array<i64: 2000, 128>}]} {
    %get3A = arith.constant 0 : index
    %get3A_0 = arith.constant 0 : index
    %get3A_1 = vector.load %arg1[%get3A, %get3A_0] : memref<2000x32xf32, #tpu.memory_space<vmem>>, vector<2000x32xf32>
    %reduce_sum3A = arith.constant dense<0.000000e+00> : vector<2000xf32>
    %reduce_sum3A_2 = vector.multi_reduction <add>, %get3A_1, %reduce_sum3A [1] : vector<2000x32xf32> to vector<2000xf32>
    %add3A = arith.constant 1.000000e+00 : f32
    %add3A_3 = vector.broadcast %add3A : f32 to vector<2000xf32>
    %add3A_4 = arith.addf %reduce_sum3A_2, %add3A_3 : vector<2000xf32>
    %rsqrt3A = math.rsqrt %add3A_4 : vector<2000xf32>
    %broadcast_in_dim3A = vector.shape_cast %rsqrt3A : vector<2000xf32> to vector<2000x1xf32>
    %swap3A = arith.constant 0 : index
    %swap3A_5 = arith.constant 0 : index
    %swap3A_6 = vector.load %arg4[%swap3A, %swap3A_5] : memref<2000x1xf32, #tpu.memory_space<vmem>>, vector<2000x1xf32>
    tpu.vector_store %arg4[%swap3A, %swap3A_5], %broadcast_in_dim3A {strides = array<i32>} : memref<2000x1xf32, #tpu.memory_space<vmem>>, vector<2000x1xf32>,
    %get3A_7 = arith.constant 0 : index
    %get3A_8 = arith.constant 0 : index
    %get3A_9 = vector.load %arg2[%get3A_7, %get3A_8] : memref<2000x128xf32, #tpu.memory_space<vmem>>, vector<2000x128xf32>
    %get3A_10 = arith.constant 0 : index
    %get3A_11 = arith.constant 0 : index
    %get3A_12 = vector.load %arg3[%get3A_10, %get3A_11] : memref<128x128xf32, #tpu.memory_space<vmem>>, vector<128x128xf32>
    %dot_general3A = arith.constant dense<0.000000e+00> : vector<2000x128xf32>
    %dot_general3A_13 = tpu.matmul %get3A_9, %get3A_12, %dot_general3A {dimension_numbers = #tpu.dot_dimension_numbers<[1], [0], [0], [1], [0, 0, 1, 1], [], []>, transpose_lhs_hint = false} : vector<2000x128xf32>, vector<128x128xf32>, vector<2000x128xf32> -> vector<2000x128xf32>
    %broadcast_in_dim3A_14 = vector.shape_cast %rsqrt3A : vector<2000xf32> to vector<2000x1xf32>
    %mul3A = vector.broadcast %broadcast_in_dim3A_14 : vector<2000x1xf32> to vector<2000x128xf32>
    %mul3A_15 = arith.mulf %dot_general3A_13, %mul3A : vector<2000x128xf32>
    %swap3A_16 = arith.constant 0 : index
    %swap3A_17 = arith.constant 0 : index
    %swap3A_18 = vector.load %arg5[%swap3A_16, %swap3A_17] : memref<2000x128xf32, #tpu.memory_space<vmem>>, vector<2000x128xf32>
    tpu.vector_store %arg5[%swap3A_16, %swap3A_17], %mul3A_15 {strides = array<i32>} : memref<2000x128xf32, #tpu.memory_space<vmem>>, vector<2000x128xf32>,
    return
  }
  func.func @transform_0(%arg0: i32) -> (i32, i32) {
    %c0_i32 = arith.constant 0 : i32
    %c0_i32_0 = arith.constant 0 : i32
    return %arg0, %c0_i32 : i32, i32
  }
  func.func @transform_1(%arg0: i32) -> (i32, i32) {
    %c0_i32 = arith.constant 0 : i32
    %c0_i32_0 = arith.constant 0 : i32
    return %arg0, %c0_i32 : i32, i32
  }
  func.func @transform_2(%arg0: i32) -> (i32, i32) {
    %c0_i32 = arith.constant 0 : i32
    %c0_i32_0 = arith.constant 0 : i32
    %c0_i32_1 = arith.constant 0 : i32
    return %c0_i32, %c0_i32_0 : i32, i32
  }
  func.func @transform_3(%arg0: i32) -> (i32, i32) {
    %c0_i32 = arith.constant 0 : i32
    %c0_i32_0 = arith.constant 0 : i32
    return %arg0, %c0_i32 : i32, i32
  }
  func.func @transform_4(%arg0: i32) -> (i32, i32) {
    %c0_i32 = arith.constant 0 : i32
    %c0_i32_0 = arith.constant 0 : i32
    return %arg0, %c0_i32 : i32, i32
  }
}

module attributes {stable_mosaic.version = 14 : i64} {
  func.func @body(%arg0: i32, %arg1: memref<2x2000x128xf32, #tpu.memory_space<vmem>>, %arg2: memref<2000x128xf32, #tpu.memory_space<vmem>>, %arg3: memref<2000x1xf32, #tpu.memory_space<vmem>>, %arg4: memref<1x128xf32, #tpu.memory_space<vmem>>, %arg5: memref<128x128xf32, #tpu.memory_space<vmem>>, %arg6: memref<2000x128xf32, #tpu.memory_space<vmem>>) attributes {dimension_semantics = [#tpu.dimension_semantics<arbitrary>], iteration_bounds = array<i64: 5>, scalar_prefetch = 0 : i64, scratch_operands = 0 : i64, tpu.core_type = #tpu.core_type<tc>, window_params = [{transform_indices = @transform_0, window_bounds = array<i64: 2, 2000, 128>}, {transform_indices = @transform_1, window_bounds = array<i64: 2000, 128>}, {transform_indices = @transform_2, window_bounds = array<i64: 2000, 1>}, {pipeline_mode = #tpu.pipeline_mode<synchronous>, transform_indices = @transform_3, window_bounds = array<i64: 1, 128>}, {pipeline_mode = #tpu.pipeline_mode<synchronous>, transform_indices = @transform_4, window_bounds = array<i64: 128, 128>}, {transform_indices = @transform_5, window_bounds = array<i64: 2000, 128>}]} {
    %get3A = arith.constant 0 : index
    %get3A_0 = arith.constant 0 : index
    %get3A_1 = arith.constant 0 : index
    %get3A_2 = vector.load %arg1[%get3A, %get3A_0, %get3A_1] : memref<2x2000x128xf32, #tpu.memory_space<vmem>>, vector<1x2000x128xf32>
    %get3A_3 = vector.shape_cast %get3A_2 : vector<1x2000x128xf32> to vector<2000x128xf32>
    %get3A_4 = arith.constant 1 : index
    %get3A_5 = arith.constant 0 : index
    %get3A_6 = arith.constant 0 : index
    %get3A_7 = vector.load %arg1[%get3A_4, %get3A_5, %get3A_6] : memref<2x2000x128xf32, #tpu.memory_space<vmem>>, vector<1x2000x128xf32>
    %get3A_8 = vector.shape_cast %get3A_7 : vector<1x2000x128xf32> to vector<2000x128xf32>
    %add3A = arith.addf %get3A_3, %get3A_8 : vector<2000x128xf32>
    %get3A_9 = arith.constant 0 : index
    %get3A_10 = arith.constant 0 : index
    %get3A_11 = vector.load %arg2[%get3A_9, %get3A_10] : memref<2000x128xf32, #tpu.memory_space<vmem>>, vector<2000x128xf32>
    %add3A_12 = arith.addf %add3A, %get3A_11 : vector<2000x128xf32>
    %get3A_13 = arith.constant 0 : index
    %get3A_14 = arith.constant 0 : index
    %get3A_15 = vector.load %arg3[%get3A_13, %get3A_14] : memref<2000x1xf32, #tpu.memory_space<vmem>>, vector<2000x1xf32>
    %mul3A = vector.broadcast %get3A_15 : vector<2000x1xf32> to vector<2000x128xf32>
    %mul3A_16 = arith.mulf %add3A_12, %mul3A : vector<2000x128xf32>
    %get3A_17 = arith.constant 0 : index
    %get3A_18 = arith.constant 0 : index
    %get3A_19 = vector.load %arg4[%get3A_17, %get3A_18] : memref<1x128xf32, #tpu.memory_space<vmem>>, vector<1x128xf32>
    %add3A_20 = vector.broadcast %get3A_19 : vector<1x128xf32> to vector<2000x128xf32>
    %add3A_21 = arith.addf %mul3A_16, %add3A_20 : vector<2000x128xf32>
    %max3A = arith.constant 0.000000e+00 : f32
    %max3A_22 = vector.broadcast %max3A : f32 to vector<2000x128xf32>
    %max3A_23 = arith.maximumf %add3A_21, %max3A_22 : vector<2000x128xf32>
    %get3A_24 = arith.constant 0 : index
    %get3A_25 = arith.constant 0 : index
    %get3A_26 = vector.load %arg5[%get3A_24, %get3A_25] : memref<128x128xf32, #tpu.memory_space<vmem>>, vector<128x128xf32>
    %dot_general3A = arith.constant dense<0.000000e+00> : vector<2000x128xf32>
    %dot_general3A_27 = tpu.matmul %max3A_23, %get3A_26, %dot_general3A {dimension_numbers = #tpu.dot_dimension_numbers<[1], [0], [0], [1], [0, 0, 1, 1], [], []>, transpose_lhs_hint = false} : vector<2000x128xf32>, vector<128x128xf32>, vector<2000x128xf32> -> vector<2000x128xf32>
    %get3A_28 = arith.constant 0 : index
    %get3A_29 = arith.constant 0 : index
    %get3A_30 = vector.load %arg3[%get3A_28, %get3A_29] : memref<2000x1xf32, #tpu.memory_space<vmem>>, vector<2000x1xf32>
    %mul3A_31 = vector.broadcast %get3A_30 : vector<2000x1xf32> to vector<2000x128xf32>
    %mul3A_32 = arith.mulf %dot_general3A_27, %mul3A_31 : vector<2000x128xf32>
    %swap3A = arith.constant 0 : index
    %swap3A_33 = arith.constant 0 : index
    %swap3A_34 = vector.load %arg6[%swap3A, %swap3A_33] : memref<2000x128xf32, #tpu.memory_space<vmem>>, vector<2000x128xf32>
    tpu.vector_store %arg6[%swap3A, %swap3A_33], %mul3A_32 {strides = array<i32>} : memref<2000x128xf32, #tpu.memory_space<vmem>>, vector<2000x128xf32>,
    return
  }
  func.func @transform_0(%arg0: i32) -> (i32, i32, i32) {
    %c0_i32 = arith.constant 0 : i32
    %c0_i32_0 = arith.constant 0 : i32
    %c0_i32_1 = arith.constant 0 : i32
    return %c0_i32, %arg0, %c0_i32_0 : i32, i32, i32
  }
  func.func @transform_1(%arg0: i32) -> (i32, i32) {
    %c0_i32 = arith.constant 0 : i32
    %c0_i32_0 = arith.constant 0 : i32
    return %arg0, %c0_i32 : i32, i32
  }
  func.func @transform_2(%arg0: i32) -> (i32, i32) {
    %c0_i32 = arith.constant 0 : i32
    %c0_i32_0 = arith.constant 0 : i32
    return %arg0, %c0_i32 : i32, i32
  }
  func.func @transform_3(%arg0: i32) -> (i32, i32) {
    %c0_i32 = arith.constant 0 : i32
    %c0_i32_0 = arith.constant 0 : i32
    %c0_i32_1 = arith.constant 0 : i32
    return %c0_i32, %c0_i32_0 : i32, i32
  }
  func.func @transform_4(%arg0: i32) -> (i32, i32) {
    %c0_i32 = arith.constant 0 : i32
    %c0_i32_0 = arith.constant 0 : i32
    %c0_i32_1 = arith.constant 0 : i32
    return %c0_i32, %c0_i32_0 : i32, i32
  }
  func.func @transform_5(%arg0: i32) -> (i32, i32) {
    %c0_i32 = arith.constant 0 : i32
    %c0_i32_0 = arith.constant 0 : i32
    return %arg0, %c0_i32 : i32, i32
  }
}

module attributes {stable_mosaic.version = 14 : i64} {
  func.func @body(%arg0: i32, %arg1: memref<2x2000x128xf32, #tpu.memory_space<vmem>>, %arg2: memref<2000x128xf32, #tpu.memory_space<vmem>>, %arg3: memref<2000x1xf32, #tpu.memory_space<vmem>>, %arg4: memref<1x128xf32, #tpu.memory_space<vmem>>, %arg5: memref<128x40xf32, #tpu.memory_space<vmem>>, %arg6: memref<1x40xf32, #tpu.memory_space<vmem>>, %arg7: memref<2000x40xf32, #tpu.memory_space<vmem>>) attributes {dimension_semantics = [#tpu.dimension_semantics<arbitrary>], iteration_bounds = array<i64: 5>, scalar_prefetch = 0 : i64, scratch_operands = 0 : i64, tpu.core_type = #tpu.core_type<tc>, window_params = [{transform_indices = @transform_0, window_bounds = array<i64: 2, 2000, 128>}, {transform_indices = @transform_1, window_bounds = array<i64: 2000, 128>}, {transform_indices = @transform_2, window_bounds = array<i64: 2000, 1>}, {pipeline_mode = #tpu.pipeline_mode<synchronous>, transform_indices = @transform_3, window_bounds = array<i64: 1, 128>}, {pipeline_mode = #tpu.pipeline_mode<synchronous>, transform_indices = @transform_4, window_bounds = array<i64: 128, 40>}, {pipeline_mode = #tpu.pipeline_mode<synchronous>, transform_indices = @transform_5, window_bounds = array<i64: 1, 40>}, {transform_indices = @transform_6, window_bounds = array<i64: 2000, 40>}]} {
    %get3A = arith.constant 0 : index
    %get3A_0 = arith.constant 0 : index
    %get3A_1 = arith.constant 0 : index
    %get3A_2 = vector.load %arg1[%get3A, %get3A_0, %get3A_1] : memref<2x2000x128xf32, #tpu.memory_space<vmem>>, vector<1x2000x128xf32>
    %get3A_3 = vector.shape_cast %get3A_2 : vector<1x2000x128xf32> to vector<2000x128xf32>
    %get3A_4 = arith.constant 1 : index
    %get3A_5 = arith.constant 0 : index
    %get3A_6 = arith.constant 0 : index
    %get3A_7 = vector.load %arg1[%get3A_4, %get3A_5, %get3A_6] : memref<2x2000x128xf32, #tpu.memory_space<vmem>>, vector<1x2000x128xf32>
    %get3A_8 = vector.shape_cast %get3A_7 : vector<1x2000x128xf32> to vector<2000x128xf32>
    %add3A = arith.addf %get3A_3, %get3A_8 : vector<2000x128xf32>
    %get3A_9 = arith.constant 0 : index
    %get3A_10 = arith.constant 0 : index
    %get3A_11 = vector.load %arg2[%get3A_9, %get3A_10] : memref<2000x128xf32, #tpu.memory_space<vmem>>, vector<2000x128xf32>
    %add3A_12 = arith.addf %add3A, %get3A_11 : vector<2000x128xf32>
    %get3A_13 = arith.constant 0 : index
    %get3A_14 = arith.constant 0 : index
    %get3A_15 = vector.load %arg3[%get3A_13, %get3A_14] : memref<2000x1xf32, #tpu.memory_space<vmem>>, vector<2000x1xf32>
    %mul3A = vector.broadcast %get3A_15 : vector<2000x1xf32> to vector<2000x128xf32>
    %mul3A_16 = arith.mulf %add3A_12, %mul3A : vector<2000x128xf32>
    %get3A_17 = arith.constant 0 : index
    %get3A_18 = arith.constant 0 : index
    %get3A_19 = vector.load %arg4[%get3A_17, %get3A_18] : memref<1x128xf32, #tpu.memory_space<vmem>>, vector<1x128xf32>
    %add3A_20 = vector.broadcast %get3A_19 : vector<1x128xf32> to vector<2000x128xf32>
    %add3A_21 = arith.addf %mul3A_16, %add3A_20 : vector<2000x128xf32>
    %max3A = arith.constant 0.000000e+00 : f32
    %max3A_22 = vector.broadcast %max3A : f32 to vector<2000x128xf32>
    %max3A_23 = arith.maximumf %add3A_21, %max3A_22 : vector<2000x128xf32>
    %get3A_24 = arith.constant 0 : index
    %get3A_25 = arith.constant 0 : index
    %get3A_26 = vector.load %arg5[%get3A_24, %get3A_25] : memref<128x40xf32, #tpu.memory_space<vmem>>, vector<128x40xf32>
    %dot_general3A = arith.constant dense<0.000000e+00> : vector<2000x40xf32>
    %dot_general3A_27 = tpu.matmul %max3A_23, %get3A_26, %dot_general3A {dimension_numbers = #tpu.dot_dimension_numbers<[1], [0], [0], [1], [0, 0, 1, 1], [], []>, transpose_lhs_hint = false} : vector<2000x128xf32>, vector<128x40xf32>, vector<2000x40xf32> -> vector<2000x40xf32>
    %get3A_28 = arith.constant 0 : index
    %get3A_29 = arith.constant 0 : index
    %get3A_30 = vector.load %arg6[%get3A_28, %get3A_29] : memref<1x40xf32, #tpu.memory_space<vmem>>, vector<1x40xf32>
    %add3A_31 = vector.broadcast %get3A_30 : vector<1x40xf32> to vector<2000x40xf32>
    %add3A_32 = arith.addf %dot_general3A_27, %add3A_31 : vector<2000x40xf32>
    %reduce_max3A = arith.constant dense<0xFF800000> : vector<2000xf32>
    %reduce_max3A_33 = vector.multi_reduction <maximumf>, %add3A_32, %reduce_max3A [1] : vector<2000x40xf32> to vector<2000xf32>
    %broadcast_in_dim3A = vector.shape_cast %reduce_max3A_33 : vector<2000xf32> to vector<2000x1xf32>
    %sub3A = vector.broadcast %broadcast_in_dim3A : vector<2000x1xf32> to vector<2000x40xf32>
    %sub3A_34 = arith.subf %add3A_32, %sub3A : vector<2000x40xf32>
    %exp3A = math.exp %sub3A_34 : vector<2000x40xf32>
    %reduce_sum3A = arith.constant dense<0.000000e+00> : vector<2000xf32>
    %reduce_sum3A_35 = vector.multi_reduction <add>, %exp3A, %reduce_sum3A [1] : vector<2000x40xf32> to vector<2000xf32>
    %broadcast_in_dim3A_36 = vector.shape_cast %reduce_sum3A_35 : vector<2000xf32> to vector<2000x1xf32>
    %div3A = vector.broadcast %broadcast_in_dim3A_36 : vector<2000x1xf32> to vector<2000x40xf32>
    %div3A_37 = arith.divf %exp3A, %div3A : vector<2000x40xf32>
    %swap3A = arith.constant 0 : index
    %swap3A_38 = arith.constant 0 : index
    %swap3A_39 = vector.load %arg7[%swap3A, %swap3A_38] : memref<2000x40xf32, #tpu.memory_space<vmem>>, vector<2000x40xf32>
    tpu.vector_store %arg7[%swap3A, %swap3A_38], %div3A_37 {strides = array<i32>} : memref<2000x40xf32, #tpu.memory_space<vmem>>, vector<2000x40xf32>,
    return
  }
  func.func @transform_0(%arg0: i32) -> (i32, i32, i32) {
    %c0_i32 = arith.constant 0 : i32
    %c0_i32_0 = arith.constant 0 : i32
    %c0_i32_1 = arith.constant 0 : i32
    return %c0_i32, %arg0, %c0_i32_0 : i32, i32, i32
  }
  func.func @transform_1(%arg0: i32) -> (i32, i32) {
    %c0_i32 = arith.constant 0 : i32
    %c0_i32_0 = arith.constant 0 : i32
    return %arg0, %c0_i32 : i32, i32
  }
  func.func @transform_2(%arg0: i32) -> (i32, i32) {
    %c0_i32 = arith.constant 0 : i32
    %c0_i32_0 = arith.constant 0 : i32
    return %arg0, %c0_i32 : i32, i32
  }
  func.func @transform_3(%arg0: i32) -> (i32, i32) {
    %c0_i32 = arith.constant 0 : i32
    %c0_i32_0 = arith.constant 0 : i32
    %c0_i32_1 = arith.constant 0 : i32
    return %c0_i32, %c0_i32_0 : i32, i32
  }
  func.func @transform_4(%arg0: i32) -> (i32, i32) {
    %c0_i32 = arith.constant 0 : i32
    %c0_i32_0 = arith.constant 0 : i32
    %c0_i32_1 = arith.constant 0 : i32
    return %c0_i32, %c0_i32_0 : i32, i32
  }
  func.func @transform_5(%arg0: i32) -> (i32, i32) {
    %c0_i32 = arith.constant 0 : i32
    %c0_i32_0 = arith.constant 0 : i32
    %c0_i32_1 = arith.constant 0 : i32
    return %c0_i32, %c0_i32_0 : i32, i32
  }
  func.func @transform_6(%arg0: i32) -> (i32, i32) {
    %c0_i32 = arith.constant 0 : i32
    %c0_i32_0 = arith.constant 0 : i32
    return %arg0, %c0_i32 : i32, i32
  }
}

</mosaic_0001>

<sc_bundles>
// kernel: kernel.11.cloned.1.call-start
scs
__scs_entry_jumppad:
0x0: {  	(pc) =	sbr.rel $0x88, $3  }
0x1: {  	(tag) =	ssettag $0x0;
	lr =	simm.s32 $0x1  }
0x2: {  	[smem:$0x3F99] =	sst lr;
	_ =	strace $0xD0000000  }
0x3: {  	_ = 	snop  }
0x4: {  	_ = 	snop  }
0x5: {  	_ = 	snop  }
0x6: {  	_ = 	snop  }
0x7: {  	_ = 	snop  }
__scs_overlays_trampoline_lowered:
0x8: {  	[smem:$0x3FA8] =	sst s0  }
0x9: {  	[smem:$0x3FA9] =	sst s1  }
0xa: {  	[smem:$0x3FAA] =	sst s2  }
0xb: {  	[smem:$0x3FAB] =	sst s3  }
0xc: {  	[smem:$0x3FAC] =	sst s4  }
0xd: {  	[smem:$0x3FAD] =	sst s5  }
0xe: {  	[smem:$0x3FAE] =	sst s6  }
0xf: {  	[smem:$0x3FAF] =	sst s7  }
0x10: {  	[smem:$0x3FB0] =	sst s8  }
0x11: {  	[smem:$0x3FB1] =	sst s9;
	s0 =	simm.s32 @!p0 $0x0  }
0x12: {  	s1 =	sld [smem:$0x3F97];
	s0 =	simm.s32 @p0 $0x1  }
0x13: {  	[smem:$0x3FB2] =	sst s0;
	s0 =	simm.s32 @!p1 $0x0  }
0x14: {  	s2 =	sld [smem:$0x3F96];
	s0 =	simm.s32 @p1 $0x1  }
0x15: {  	[smem:$0x3FB3] =	sst s0;
	s0 =	simm.s32 @!p2 $0x0  }
0x16: {  	s3 =	sld [smem:$0x3FDB];
	s0 =	simm.s32 @p2 $0x1  }
0x17: {  	s4 =	simm.s32 $0x1BF5;
	[smem:$0x3FB5] =	sst s0  }
0x18: {  	s0 =	sld [smem:$0x3F98];
	_ =	swait.ge [sflag:s4], $0x0  }
0x19: {  	s7 =	sld [smem:$0x3F99]  }
0x1a: {  	s8 =	sadd.s32 $0xFFFFE003, lr  }
0x1b: {  	s9 =	sadd.s32 $0xFFFFFEF7, lr;
	s5 =	simm.s32 $0xFFFFFFFF;
	p2 =	slt.u32 s8, $0xFFFFF086  }
0x1c: {  	p1 =	slt.u32 s9, $0xF7A;
	s5 =	simm.s32 @!p2 $0x0  }
0x1d: {  	s5 =	simm.s32 @p1 $0x1;
	p0 =	seq.s32 s7, s2  }
0x1e: {  	s7 =	smul.u32 @!p0 $0xF7A, s2;
	p2 =	seq.s32 @!p0 s5, $0x0  }
0x1f: {  	s9 =	smul.u32 $0xF7A, s1;
	s8 =	simm.s32 @!p0 $0x1BF5;
	p2 =	por !p2, p0  }
0x20: {  	[sflag:s8] =	ssyncset.s32 @!p0 $0xFFFFF086;
	s6 =	sadd.s32 @!p0 s3, s7;
	s7 =	simm.s32 @!p0 $0x108  }
0x21: {  	s3 =	sadd.s32 s3, s9;
	s6 =	sadd.s32 @!p0 $0x88, s6;
	s7 =	simm.s32 @p2 $0x1082  }
0x22: {  	[simem:s7], [sflag:s8] =	dma.local @!p0 [hbm:s6], $0xF7A  }
0x23: {  	s9 =	sor.u32 $0xD0000000, s2;
	s6 =	simm.s32 $0x108;
	_ =	swait.ge @!p0 [sflag:s8], $0x0  }
0x24: {  	s3 =	sadd.s32 $0x88, s3;
	s6 =	simm.s32 @!p1 $0x1082;
	[sflag:s4] =	ssyncset.s32 $0xFFFFF086  }
0x25: {  	[simem:s6], [sflag:s4] =	dma.local [hbm:s3], $0xF7A  }
0x26: {  	[smem:$0x3F99] =	sst s1;
	(tag) =	ssettag s2;
	_ =	strace s9  }
0x27: {  	s1 =	sld [smem:$0x3FA9]  }
0x28: {  	s2 =	sld [smem:$0x3FAA]  }
0x29: {  	s4 =	sld [smem:$0x3FAC]  }
0x2a: {  	p0 =	seq.s32 s5, $0x0;
	s5 =	sld [smem:$0x3FAD]  }
0x2b: {  	s6 =	sld [smem:$0x3FAE]  }
0x2c: {  	s7 =	sld [smem:$0x3FAF]  }
0x2d: {  	s3 =	simm.s32 $0x108;
	s8 =	sld [smem:$0x3FB0]  }
0x2e: {  	s3 =	simm.s32 @!p0 $0x1082;
	s9 =	sld [smem:$0x3FB1]  }
0x2f: {  	lr =	sadd.s32 s0, s3;
	s0 =	sld [smem:$0x3FA8]  }
0x30: {  	s3 =	sld [smem:$0x3FAB]  }
0x31: {  	[smem:$0x3FB4] =	sst s10  }
0x32: {  	s10 =	sld [smem:$0x3FB2];
	_ =	sdelay $0x3  }
0x33: {  	p0 =	seq.s32 s10, $0x1;
	s10 =	sld [smem:$0x3FB4];
	_ =	sdelay $0x3  }
0x34: {  	[smem:$0x3FB4] =	sst s10  }
0x35: {  	s10 =	sld [smem:$0x3FB3];
	_ =	sdelay $0x3  }
0x36: {  	p1 =	seq.s32 s10, $0x1;
	s10 =	sld [smem:$0x3FB4];
	_ =	sdelay $0x3  }
0x37: {  	[smem:$0x3FB4] =	sst s10  }
0x38: {  	s10 =	sld [smem:$0x3FB5]  }
0x39: {  	_ = 	snop;
	(pc) =	sbr.ind lr, $3  }
0x3a: {  	_ = 	snop  }
0x3b: {  	_ = 	snop  }
0x3c: {  	p2 =	seq.s32 s10, $0x1;
	s10 =	sld [smem:$0x3FB4]  }
0x3d: {  	_ =	shalt  }
0x3e: {  	_ =	shalt  }
0x3f: {  	_ =	shalt  }
0x40: {  	_ =	shalt  }
0x41: {  	_ =	shalt  }
0x42: {  	_ =	shalt  }
0x43: {  	_ =	shalt  }
0x44: {  	_ =	shalt  }
0x45: {  	_ =	shalt  }
0x46: {  	_ =	shalt  }
0x47: {  	_ =	shalt  }
0x48: {  	_ =	shalt  }
0x49: {  	_ =	shalt  }
0x4a: {  	_ =	shalt  }
0x4b: {  	_ =	shalt  }
0x4c: {  	_ =	shalt  }
0x4d: {  	_ =	shalt  }
0x4e: {  	_ =	shalt  }
0x4f: {  	_ =	shalt  }
0x50: {  	_ =	shalt  }
0x51: {  	_ =	shalt  }
0x52: {  	_ =	shalt  }
0x53: {  	_ =	shalt  }
0x54: {  	_ =	shalt  }
0x55: {  	_ =	shalt  }
0x56: {  	_ =	shalt  }
0x57: {  	_ =	shalt  }
0x58: {  	_ =	shalt  }
0x59: {  	_ =	shalt  }
0x5a: {  	_ =	shalt  }
0x5b: {  	_ =	shalt  }
0x5c: {  	_ =	shalt  }
0x5d: {  	_ =	shalt  }
0x5e: {  	_ =	shalt  }
0x5f: {  	_ =	shalt  }
0x60: {  	_ =	shalt  }
0x61: {  	_ =	shalt  }
0x62: {  	_ =	shalt  }
0x63: {  	_ =	shalt  }
0x64: {  	_ =	shalt  }
0x65: {  	_ =	shalt  }
0x66: {  	_ =	shalt  }
0x67: {  	_ =	shalt  }
0x68: {  	_ =	shalt  }
0x69: {  	_ =	shalt  }
0x6a: {  	_ =	shalt  }
0x6b: {  	_ =	shalt  }
0x6c: {  	_ =	shalt  }
0x6d: {  	_ =	shalt  }
0x6e: {  	_ =	shalt  }
0x6f: {  	_ =	shalt  }
0x70: {  	_ =	shalt  }
0x71: {  	_ =	shalt  }
0x72: {  	_ =	shalt  }
0x73: {  	_ =	shalt  }
0x74: {  	_ =	shalt  }
0x75: {  	_ =	shalt  }
0x76: {  	_ =	shalt  }
0x77: {  	_ =	shalt  }
0x78: {  	_ =	shalt  }
0x79: {  	_ =	shalt  }
0x7a: {  	_ =	shalt  }
0x7b: {  	_ =	shalt  }
0x7c: {  	_ =	shalt  }
0x7d: {  	_ =	shalt  }
0x7e: {  	_ =	shalt  }
0x7f: {  	_ =	shalt  }
0x80: {  	_ =	shalt  }
0x81: {  	_ =	shalt  }
0x82: {  	_ =	shalt  }
0x83: {  	_ =	shalt  }
0x84: {  	_ =	shalt  }
0x85: {  	_ =	shalt  }
0x86: {  	_ =	shalt  }
0x87: {  	_ =	shalt  }
.Lfunc_end0:
.L_simem_size_0:
called_computation.1_lowered:
.L_overlay_start_0:
0x88: {  	s2 =	sld [smem:$0x3FD9]  }
0x89: {  	s3 =	sld [smem:$0x3FFE];
	_ =	sdelay $0x1  }
0x8a: {  	s1 =	srdreg.scid  }
0x8b: {  	s0 =	sand.u32 $0x1, s1  }
0x8c: {  	s17 =	sshll.u32 s0, $0xA;
	s2 =	sadd.s32 s3, s2  }
0x8d: {  	s2 =	sadd.s32 s2, s17  }
0x8e: {  	[smem:$0x3FC0] =	sst s2  }
0x8f: {  	_ = 	snop  }
0x90: {  	s2 =	sld [smem:$0x3FD0];
	(tm) =	ssettm $0x1  }
0x91: {  	s18 =	sld [smem:$0x3FFB];
	_ =	sdelay $0x3  }
0x92: {  	_ =	strace s18  }
0x93: {  	s3 =	sld [smem:$0x3FFC];
	_ =	sdelay $0x3  }
0x94: {  	_ =	strace s3  }
0x95: {  	s3 =	sld [smem:$0x3FFD];
	_ =	sdelay $0x3  }
0x96: {  	_ =	strace s3  }
0x97: {  	_ =	strace $0x8FFFFFFF  }
0x98: {  	s19 =	sld [smem:$0x3FDB];
	_ =	sdelay $0x1  }
0x99: {  	s4 =	simm.s32 $_scs_section_size  }
0x9a: {  	s5 =	simm.s32 $_size__tile_overlayer_lowered;
	s6 =	simm.s32 $_tile_overlayer_lowered  }
0x9b: {  	s22 =	simm.s32 $0x1BFF;
	s21 =	sshll.u32 s6, $0x1;
	s3 =	sadd.s32 s4, s19  }
0x9c: {  	s7 =	simm.s32 $0x0;
	s20 =	sshll.u32 s5, $0x1;
	s5 =	sadd.s32 s21, s3  }
0x9d: {  	[timem:s7], [sflag:s22] =	dma.local [hbm:s5], s20  }
0x9e: {  	_ =	swait.ge [sflag:s22], s20  }
0x9f: {  	s4 =	ssub.s32 $0x0, s20;
	[sflag:s22] =	ssyncset.done $0x0  }
0xa0: {  	[sflag:s22] =	ssyncadd.s32 s4;
	_ =	sdelay $0x1  }
0xa1: {  	s23 =	simm.s32 $0x1B8B  }
0xa2: {  	_ =	swait.ge [sflag:s23], $0x1  }
0xa3: {  	[sflag:s23] =	ssyncset.done $0x0  }
0xa4: {  	s25 =	simm.s32 $0x1B8E;
	s24 =	sld [smem:$0x3FFE];
	[sflag:s23] =	ssyncadd.s32 $0xFFFFFFFF  }
0xa5: {  	s26 =	simm.s32 $execute0_lowered;
	[smem:$0x3FD2] =	sst s25  }
0xa6: {  	s5 =	sshll.u32 s26, $0x1;
	_ =	strace $0x80000049;
	[dreg:$0x1] =	wrdreg $0xFFFFFFFF  }
0xa7: {  	s28 =	simm.s32 $_size_execute0_lowered;
	s3 =	sadd.s32 s3, s5;
	[dreg:$0x0] =	wrdreg $0x0  }
0xa8: {  	s5 =	sshll.u32 s28, $0x1;
	[dreg:$0x2] =	wrdreg s3  }
0xa9: {  	[dreg:$0x3] =	wrdreg s5  }
0xaa: {  	[dreg:$0x4] =	wrdreg $0xC0  }
0xab: {  	_ =	task [dreg:s7], $0x5FFFF  }
0xac: {  	[dreg:$0x1] =	wrdreg $0xFFFFFFFF  }
0xad: {  	[dreg:$0x0] =	wrdreg $0x60  }
0xae: {  	[dreg:$0x2] =	wrdreg s24  }
0xaf: {  	[dreg:$0x3] =	wrdreg s2  }
0xb0: {  	[dreg:$0x4] =	wrdreg $0xA9000  }
0xb1: {  	[dreg:$0x5] =	wrdreg $0x9  }
0xb2: {  	_ =	task.clear_ibuf [dreg:s7], $0x6FFFF;
	_ =	strace $0x90000049  }
0xb3: {  	s29 =	simm.s32 $0x9;
	_ =	strace $0x8000004B  }
0xb4: {  	_ =	swait.ge [sflag:s29], $0x1  }
0xb5: {  	[sflag:s29] =	ssyncadd.s32 $0xFFFFFFFF  }
0xb6: {  	_ =	strace $0x9000004B  }
0xb7: {  	_ =	sfence  }
0xb8: {  	s30 =	sld [smem:$0x0];
	_ =	sdelay $0x2  }
0xb9: {  	s31 =	sshll.u32 s1, $0xD;
	s1 =	sshrl.u32 s1, $0x2  }
0xba: {  	s3 =	sand.u32 $0x4000, s31;
	s1 =	sadd.s32 s1, s30  }
0xbb: {  	s0 =	sor.u32 s3, s0;
	s1 =	sshll.u32 s1, $0x11  }
0xbc: {  	s0 =	sor.u32 s1, s0  }
0xbd: {  	s0 =	sadd.s32 $0x8F2B, s0  }
0xbe: {  	[sflag:s0] =	ssyncadd.remote.s32 $0x1  }
0xbf: {  	_ =	sfence.sel $0xFFFF  }
0xc0: {  	[dreg:$0x0] =	wrdreg $0xFFFFFFFF;
	(pc) =	sbr.abs _section_cstart, $3  }
0xc1: {  	[dreg:$0x1] =	wrdreg $0xFFFFFFFF  }
0xc2: {  	_ =	task.clear_ibuf [dreg:s7], $0x2FFFF;
	_ =	strace $0x9FFFFFFF  }
0xc3: {  	(tm) =	ssettm $0x7FFFFFFF  }
tec
execute0_lowered:
.L_overlay_start_1:
0x0: {  	(tag) =	ssettag $0x1  }
0x1: {  	s0 =	rddreg [dreg:$0x0]  }
0x2: {  	s1 =	rddreg [dreg:$0x1]  }
0x3: {  	s2 =	rddreg [dreg:$0x2]  }
0x4: {  	s3 =	srdreg.scid;
	s12 =	stileid.u32  }
0x5: {  	s20 =	simm.s32 $0x6;
	s21 =	simm.s32 $0x2800;
	s22 =	simm.s32 $0x7D  }
0x6: {  	s23 =	simm.s32 $0x2900;
	s29 =	simm.s32 $0x1;
	s5 =	smul.u32 $0x14000, s12  }
0x7: {  	s30 =	simm.s32 $0x3;
	s31 =	simm.s32 $0x2;
	s10 =	smul.u32 $0x50000, s12  }
0x8: {  	s6 =	sand.u32 $0x1, s3;
	s3 =	simm.s32 $0x0;
	s28 =	smul.u32 $0x2800, s12  }
0x9: {  	s19 =	sadd.s32 $0x16400, s0;
	s4 =	smul.u32 $0x140000, s6;
	s7 =	sshll.u32 s6, $0x4  }
0xa: {  	[smem:$0x7FF] =	sst s3;
	s8 =	ssub.s32 $0x2, s6;
	s26 =	smul.u32 $0x28000, s6  }
0xb: {  	s7 =	sor.u32 s12, s7;
	_ =	strace $0x8000004A;
	s9 =	sshrl.u32 s8, $0x1  }
0xc: {  	s25 =	sshrl.u32 s10, $0x2;
	s5 =	sadd.s32 s5, s4;
	s7 =	smul.u32 $0x2800, s7  }
0xd: {  	s4 =	sadd.s32 $0x20400, s0;
	s11 =	ssub.s32 s8, s9;
	s9 =	sadd.s32 s25, s2  }
0xe: {  	s25 =	simm.s32 $0x5;
	s5 =	sshrl.u32 s5, $0x3;
	s10 =	smax.u32 s11, $0x1  }
0xf: {  	s11 =	sadd.s32 $0x2800, s9;
	s12 =	sadd.s32 $0x5000, s9;
	s13 =	sadd.s32 $0x7800, s9  }
0x10: {  	s14 =	sadd.s32 $0xA000, s9;
	s15 =	sadd.s32 $0xC800, s9;
	s7 =	sshrl.u32 s7, $0x3  }
0x11: {  	s16 =	sadd.s32 $0xF000, s9;
	s0 =	sadd.s32 s5, s0;
	s1 =	sadd.s32 s1, s7  }
0x12: {  	s17 =	sadd.s32 $0x11800, s9;
	s0 =	sadd.s32 $0x47600, s0;
	[dreg:$0x4] =	wrdreg s1  }
0x13: {  	s5 =	sadd.s32 s19, s7;
	[dreg:$0x6] =	wrdreg s0;
	s0 =	sadd.s32 s28, s26  }
0x14: {  	s24 =	sadd.s32 $0x10, s5;
	s26 =	simm.s32 $0x2880;
	s1 =	sor.u32 $0x100, s0  }
0x15: {  	[dreg:$0x5] =	wrdreg s24;
	s0 =	sor.u32 $0x180, s0;
	s1 =	sshrl.u32 s1, $0x3  }
0x16: {  	s24 =	simm.s32 $0x6900;
	s0 =	sshrl.u32 s0, $0x3;
	s18 =	sadd.s32 s1, s19  }
0x17: {  	v0 =	vimm.f32 $0.0e+00;
	s19 =	sadd.s32 s0, s19;
	s0 =	simm.s32 $0x4;
	s1 =	simm.s32 $0x0  }
.LBB2_1:
0x18: {  	s6 =	rddreg [dreg:$0x4]  }
0x19: {  	[tilespmem:s3], [sflag:$0x6] =	stream.linear.gather [hbm4b:s6+s3], $0x2800, $0x38;
	[tilespmem:$0x1E900] =	vst v63  }
0x1a: {  	_ =	swait.ge [sflag:s20], $0x2800  }
0x1b: {  	s8 =	sand.u32 $0xFE00, s3;
	[sflag:s20] =	ssyncset.done $0x0  }
0x1c: {  	s7 =	sand.u32 $0x70, s3;
	s28 =	sshrl.u32 s8, $0x2;
	[sflag:s20] =	ssyncadd.s32 $0xFFFFD800  }
0x1d: {  	[tilespmem:s21], [sflag:$0x3] =	stream.linear.gather [hbm4b:s5+s3], $0x80, $0x38;
	[tilespmem:$0x1E900] =	vst v63  }
0x1e: {  	s6 =	simm.s32 $0x40;
	s7 =	sor.u32 s7, s28;
	s28 =	simm.s32 $0x0  }
0x1f: {  	[tilespmem:s23], [sflag:$0x1] =	stream.indirect.gather [hbm4b:s4+s22], $0x80, s3, s22, $0xb8;
	[tilespmem:$0x1E900] =	vst v63  }
.LBB2_2:
0x20: {  	p0 =	sne.s32 s6, $0x9FC0  }
0x21: {  	[tilespmem:s7+$0x6900] =	vst v0;
	s28 =	sadd.s32 $0x10, s28;
	s7 =	smov.u32 s6;
	s6 =	sadd.s32 $0x40, s6  }
.Ltmp0:
0x22: {  	(pc) =	sbr.rel @p0 .LBB2_2-.Ltmp0, $4  }
0x23: {  	_ = 	snop  }
0x24: {  	s7 =	sand.u32 $0xFE00, s7  }
0x25: {  	s8 =	sand.u32 $0x70, s28;
	s7 =	sshrl.u32 s7, $0x2  }
0x26: {  	s7 =	sor.u32 s8, s7  }
0x27: {  	[tilespmem:s7+$0x6900] =	vst v0  }
0x28: {  	[spmem:s9] =	stream.linear.scatter [tilespmem:s24], [sflag:$0x5], $0x2800, $0x38;
	[tilespmem:$0x1E900] =	vst v63  }
0x29: {  	_ = 	snop  }
0x2a: {  	[spmem:s11] =	stream.linear.scatter [tilespmem:s24], [sflag:$0x5], $0x2800, $0x38;
	[tilespmem:$0x1E900] =	vst v63  }
0x2b: {  	_ = 	snop  }
0x2c: {  	[spmem:s12] =	stream.linear.scatter [tilespmem:s24], [sflag:$0x5], $0x2800, $0x38;
	[tilespmem:$0x1E900] =	vst v63  }
0x2d: {  	_ = 	snop  }
0x2e: {  	[spmem:s13] =	stream.linear.scatter [tilespmem:s24], [sflag:$0x5], $0x2800, $0x38;
	[tilespmem:$0x1E900] =	vst v63  }
0x2f: {  	_ = 	snop  }
0x30: {  	[spmem:s14] =	stream.linear.scatter [tilespmem:s24], [sflag:$0x5], $0x2800, $0x38;
	[tilespmem:$0x1E900] =	vst v63  }
0x31: {  	_ = 	snop  }
0x32: {  	[spmem:s15] =	stream.linear.scatter [tilespmem:s24], [sflag:$0x5], $0x2800, $0x38;
	[tilespmem:$0x1E900] =	vst v63  }
0x33: {  	_ = 	snop  }
0x34: {  	[spmem:s16] =	stream.linear.scatter [tilespmem:s24], [sflag:$0x5], $0x2800, $0x38;
	[tilespmem:$0x1E900] =	vst v63  }
0x35: {  	_ = 	snop  }
0x36: {  	[spmem:s17] =	stream.linear.scatter [tilespmem:s24], [sflag:$0x5], $0x2800, $0x38;
	[tilespmem:$0x1E900] =	vst v63  }
0x37: {  	_ =	swait.ge [sflag:s25], $0x2800  }
0x38: {  	[sflag:s25] =	ssyncset.done $0x0  }
0x39: {  	[sflag:s25] =	ssyncadd.s32 $0xFFFFD800  }
0x3a: {  	_ =	swait.ge [sflag:s25], $0x2800  }
0x3b: {  	[sflag:s25] =	ssyncset.done $0x0  }
0x3c: {  	[sflag:s25] =	ssyncadd.s32 $0xFFFFD800  }
0x3d: {  	_ =	swait.ge [sflag:s25], $0x2800  }
0x3e: {  	[sflag:s25] =	ssyncset.done $0x0  }
0x3f: {  	[sflag:s25] =	ssyncadd.s32 $0xFFFFD800  }
0x40: {  	_ =	swait.ge [sflag:s25], $0x2800  }
0x41: {  	[sflag:s25] =	ssyncset.done $0x0  }
0x42: {  	[sflag:s25] =	ssyncadd.s32 $0xFFFFD800  }
0x43: {  	_ =	swait.ge [sflag:s25], $0x2800  }
0x44: {  	[sflag:s25] =	ssyncset.done $0x0  }
0x45: {  	[sflag:s25] =	ssyncadd.s32 $0xFFFFD800  }
0x46: {  	_ =	swait.ge [sflag:s25], $0x2800  }
0x47: {  	[sflag:s25] =	ssyncset.done $0x0  }
0x48: {  	[sflag:s25] =	ssyncadd.s32 $0xFFFFD800  }
0x49: {  	_ =	swait.ge [sflag:s25], $0x2800  }
0x4a: {  	[sflag:s25] =	ssyncset.done $0x0  }
0x4b: {  	[sflag:s25] =	ssyncadd.s32 $0xFFFFD800  }
0x4c: {  	_ =	swait.ge [sflag:s25], $0x2800  }
0x4d: {  	[sflag:s25] =	ssyncset.done $0x0  }
0x4e: {  	[sflag:s25] =	ssyncadd.s32 $0xFFFFD800  }
0x4f: {  	[bflag:$0x0] =	sbarrier.arrive $0xFFFF  }
0x50: {  	s6 =	simm.s32 $0x0;
	s8 =	rddreg [dreg:$0x5]  }
0x51: {  	[tilespmem:s26], [sflag:$0x4] =	stream.linear.gather [hbm4b:s8+s6], $0x80, $0x38;
	[tilespmem:$0x1E900] =	vst v63  }
0x52: {  	s7 =	simm.s32 $0x80  }
0x53: {  	[tilespmem:s24], [sflag:$0x2] =	stream.indirect.gather [hbm4b:s4+s22], $0x80, s7, s22, $0xb8;
	[tilespmem:$0x1E900] =	vst v63  }
0x54: {  	_ =	swait.ge [sflag:s29], $0x3E80  }
0x55: {  	[sflag:s29] =	ssyncset.done $0x0  }
0x56: {  	[sflag:s29] =	ssyncadd.s32 $0xFFFFC180  }
0x57: {  	_ =	swait.ge [sflag:s30], $0x80  }
0x58: {  	[sflag:s30] =	ssyncset.done $0x0  }
0x59: {  	[sflag:s30] =	ssyncadd.s32 $0xFFFFFF80  }
0x5a: {  	[spmem:s2] =	stream.indirect.scatter.add.f32 [tilespmem:s23], [sflag:$0x6], $0x80, s21, s22, $0xb8;
	[tilespmem:$0x1E900] =	vst v63  }
0x5b: {  	_ =	swait.ge [sflag:s20], $0x3E80  }
0x5c: {  	[sflag:s20] =	ssyncset.done $0x0  }
0x5d: {  	s8 =	sadd.s32 $0x0, s18;
	[sflag:s20] =	ssyncadd.s32 $0xFFFFC180  }
0x5e: {  	[tilespmem:s21], [sflag:$0x3] =	stream.linear.gather [hbm4b:s8+s3], $0x80, $0x38;
	[tilespmem:$0x1E900] =	vst v63  }
0x5f: {  	s7 =	simm.s32 $0x100  }
0x60: {  	[tilespmem:s23], [sflag:$0x1] =	stream.indirect.gather [hbm4b:s4+s22], $0x80, s7, s22, $0xb8;
	[tilespmem:$0x1E900] =	vst v63  }
0x61: {  	_ =	swait.ge [sflag:s31], $0x3E80  }
0x62: {  	[sflag:s31] =	ssyncset.done $0x0  }
0x63: {  	[sflag:s31] =	ssyncadd.s32 $0xFFFFC180  }
0x64: {  	_ =	swait.ge [sflag:s0], $0x80  }
0x65: {  	[sflag:s0] =	ssyncset.done $0x0  }
0x66: {  	[sflag:s0] =	ssyncadd.s32 $0xFFFFFF80  }
0x67: {  	[spmem:s2] =	stream.indirect.scatter.add.f32 [tilespmem:s24], [sflag:$0x6], $0x80, s26, s22, $0xb8;
	[tilespmem:$0x1E900] =	vst v63  }
0x68: {  	_ =	swait.ge [sflag:s20], $0x3E80  }
0x69: {  	s28 =	simm.s32 $0x20;
	s6 =	simm.s32 $0x200;
	[sflag:s20] =	ssyncset.done $0x0  }
0x6a: {  	s8 =	sadd.s32 $0x0, s19;
	s7 =	simm.s32 $0x180;
	[sflag:s20] =	ssyncadd.s32 $0xFFFFC180  }
0x6b: {  	[tilespmem:s26], [sflag:$0x4] =	stream.linear.gather [hbm4b:s8+s3], $0x80, $0x38;
	[tilespmem:$0x1E900] =	vst v63  }
.LBB2_4:
0x6c: {  	[tilespmem:s24], [sflag:$0x2] =	stream.indirect.gather [hbm4b:s4+s22], $0x80, s7, s22, $0xb8;
	[tilespmem:$0x1E900] =	vst v63  }
0x6d: {  	s7 =	smov.u32 s28  }
0x6e: {  	p0 =	sne.s32 s28, $0x4C0;
	s28 =	sadd.s32 $0x20, s28;
	_ =	swait.ge [sflag:s29], $0x3E80  }
0x6f: {  	[sflag:s29] =	ssyncset.done $0x0  }
0x70: {  	[sflag:s29] =	ssyncadd.s32 $0xFFFFC180  }
0x71: {  	_ =	swait.ge [sflag:s30], $0x80  }
0x72: {  	[sflag:s30] =	ssyncset.done $0x0  }
0x73: {  	[sflag:s30] =	ssyncadd.s32 $0xFFFFFF80  }
0x74: {  	[spmem:s2] =	stream.indirect.scatter.add.f32 [tilespmem:s23], [sflag:$0x6], $0x80, s21, s22, $0xb8;
	[tilespmem:$0x1E900] =	vst v63  }
0x75: {  	_ =	swait.ge [sflag:s20], $0x3E80  }
0x76: {  	[sflag:s20] =	ssyncset.done $0x0  }
0x77: {  	s8 =	sadd.s32 s7, s18;
	[sflag:s20] =	ssyncadd.s32 $0xFFFFC180  }
0x78: {  	[tilespmem:s21], [sflag:$0x3] =	stream.linear.gather [hbm4b:s8+s3], $0x80, $0x38;
	[tilespmem:$0x1E900] =	vst v63  }
0x79: {  	_ = 	snop  }
0x7a: {  	[tilespmem:s23], [sflag:$0x1] =	stream.indirect.gather [hbm4b:s4+s22], $0x80, s6, s22, $0xb8;
	[tilespmem:$0x1E900] =	vst v63  }
0x7b: {  	_ =	swait.ge [sflag:s31], $0x3E80  }
0x7c: {  	[sflag:s31] =	ssyncset.done $0x0  }
0x7d: {  	[sflag:s31] =	ssyncadd.s32 $0xFFFFC180  }
0x7e: {  	_ =	swait.ge [sflag:s0], $0x80  }
0x7f: {  	[sflag:s0] =	ssyncset.done $0x0  }
0x80: {  	[sflag:s0] =	ssyncadd.s32 $0xFFFFFF80  }
0x81: {  	[spmem:s2] =	stream.indirect.scatter.add.f32 [tilespmem:s24], [sflag:$0x6], $0x80, s26, s22, $0xb8;
	[tilespmem:$0x1E900] =	vst v63  }
.Ltmp1:
0x82: {  	_ =	swait.ge [sflag:s20], $0x3E80;
	(pc) =	sbr.rel @p0 .LBB2_4-.Ltmp1, $4  }
0x83: {  	[sflag:s20] =	ssyncset.done $0x0  }
0x84: {  	s7 =	sadd.s32 s7, s19;
	[sflag:s20] =	ssyncadd.s32 $0xFFFFC180  }
0x85: {  	[tilespmem:s26], [sflag:$0x4] =	stream.linear.gather [hbm4b:s7+s3], $0x80, $0x38;
	[tilespmem:$0x1E900] =	vst v63  }
0x86: {  	s7 =	sadd.s32 $0x80, s6;
	s6 =	sadd.s32 $0x100, s6  }
0x87: {  	[tilespmem:s24], [sflag:$0x2] =	stream.indirect.gather [hbm4b:s4+s22], $0x80, s7, s22, $0xb8;
	[tilespmem:$0x1E900] =	vst v63  }
0x88: {  	_ =	swait.ge [sflag:s29], $0x3E80  }
0x89: {  	[sflag:s29] =	ssyncset.done $0x0  }
0x8a: {  	[sflag:s29] =	ssyncadd.s32 $0xFFFFC180  }
0x8b: {  	_ =	swait.ge [sflag:s30], $0x80  }
0x8c: {  	[sflag:s30] =	ssyncset.done $0x0  }
0x8d: {  	[sflag:s30] =	ssyncadd.s32 $0xFFFFFF80  }
0x8e: {  	[spmem:s2] =	stream.indirect.scatter.add.f32 [tilespmem:s23], [sflag:$0x6], $0x80, s21, s22, $0xb8;
	[tilespmem:$0x1E900] =	vst v63  }
0x8f: {  	_ =	swait.ge [sflag:s20], $0x3E80  }
0x90: {  	[sflag:s20] =	ssyncset.done $0x0  }
0x91: {  	[sflag:s20] =	ssyncadd.s32 $0xFFFFC180  }
0x92: {  	_ =	swait.ge [sflag:s31], $0x3E80  }
0x93: {  	[sflag:s31] =	ssyncset.done $0x0  }
0x94: {  	[sflag:s31] =	ssyncadd.s32 $0xFFFFC180  }
0x95: {  	_ =	swait.ge [sflag:s0], $0x80  }
0x96: {  	[sflag:s0] =	ssyncset.done $0x0  }
0x97: {  	[sflag:s0] =	ssyncadd.s32 $0xFFFFFF80  }
0x98: {  	[spmem:s2] =	stream.indirect.scatter.add.f32 [tilespmem:s24], [sflag:$0x6], $0x80, s26, s22, $0xb8;
	[tilespmem:$0x1E900] =	vst v63  }
0x99: {  	_ =	swait.ge [sflag:s20], $0x3E80  }
0x9a: {  	s6 =	stileid.u32;
	[sflag:s20] =	ssyncset.done $0x0  }
0x9b: {  	s28 =	sshrl.u32 s9, $0x3;
	s1 =	sadd.s32 $0x1, s1;
	[sflag:s20] =	ssyncadd.s32 $0xFFFFC180  }
0x9c: {  	s6 =	sshll.u32 s6, $0x6;
	p0 =	sne.s32 s1, s10;
	[bflag:$0x0] =	sbarrier.arrive $0xFFFF  }
.Ltmp2:
0x9d: {  	s6 =	sor.u32 $0x1C06, s6;
	s8 =	rddreg [dreg:$0x6];
	(pc) =	sbr.rel @p0 .LBB2_1-.Ltmp2, $4  }
0x9e: {  	[hbm:s8], [sflag:s6] =	dma.local [spmem:s28], $0x2800  }
0x9f: {  	_ =	swait.ge [sflag:s20], $0x2800  }
0xa0: {  	[sflag:s20] =	ssyncset.done $0x0  }
0xa1: {  	[sflag:s20] =	ssyncadd.s32 $0xFFFFD800  }
0xa2: {  	_ =	sfence.sel $0x180000  }
0xa3: {  	[bflag:$0x0] =	sbarrier.arrive $0xFFFF  }
0xa4: {  	_ =	strace $0x9000004A  }
0xa5: {  	s0 =	stileid.u32;
	[bflag:$0x2] =	sbarrier.arrive $0xFFFF  }
0xa6: {  	p0 =	sne.s32 s0, $0x0;
	s0 =	rddreg [dreg:$0x3]  }
0xa7: {  	s0 =	sadd.s32 @!p0 $0x100000, s0  }
0xa8: {  	[sflag:s0] =	ssyncadd.tile.s32 @!p0 $0x1;
	_ =	shalt  }
.Lfunc_end2:
_tile_overlayer_lowered:
.L_overlay_start_2:
0xa9: {  	(tag) =	ssettag $0x2  }
0xaa: {  	s0 =	rddreg [dreg:$0x0];
	s2 =	stileid.u32  }
0xab: {  	s1 =	rddreg [dreg:$0x1];
	p0 =	sne.s32 s2, $0x0  }
0xac: {  	s3 =	rddreg [dreg:$0x2];
	[bflag:$0x3] =	sbarrier.arrive $0xFFFF;
	s2 =	simm.s32 @!p0 $0x1C06  }
0xad: {  	[timem:s3], [sflag:s2] =	dma.local @!p0 [hbm:s0], s1  }
0xae: {  	s0 =	simm.s32 @!p0 $0x6  }
0xaf: {  	_ =	swait.ge @!p0 [sflag:s0], s1  }
0xb0: {  	s1 =	ssub.s32 @!p0 $0x0, s1;
	[sflag:s0] =	ssyncset.done @!p0 $0x0  }
0xb1: {  	[sflag:s0] =	ssyncadd.s32 @!p0 s1  }
0xb2: {  	[bflag:$0x3] =	sbarrier.arrive $0xFFFF  }
0xb3: {  	_ =	shalt  }

// kernel: kernel.14.cloned.1.call-start
scs
__scs_entry_jumppad:
0x0: {  	(pc) =	sbr.rel $0x88, $3  }
0x1: {  	(tag) =	ssettag $0x0;
	lr =	simm.s32 $0x1  }
0x2: {  	[smem:$0x3F99] =	sst lr;
	_ =	strace $0xD0000000  }
0x3: {  	_ = 	snop  }
0x4: {  	_ = 	snop  }
0x5: {  	_ = 	snop  }
0x6: {  	_ = 	snop  }
0x7: {  	_ = 	snop  }
__scs_overlays_trampoline_lowered:
0x8: {  	[smem:$0x3FA8] =	sst s0  }
0x9: {  	[smem:$0x3FA9] =	sst s1  }
0xa: {  	[smem:$0x3FAA] =	sst s2  }
0xb: {  	[smem:$0x3FAB] =	sst s3  }
0xc: {  	[smem:$0x3FAC] =	sst s4  }
0xd: {  	[smem:$0x3FAD] =	sst s5  }
0xe: {  	[smem:$0x3FAE] =	sst s6  }
0xf: {  	[smem:$0x3FAF] =	sst s7  }
0x10: {  	[smem:$0x3FB0] =	sst s8  }
0x11: {  	[smem:$0x3FB1] =	sst s9;
	s0 =	simm.s32 @!p0 $0x0  }
0x12: {  	s1 =	sld [smem:$0x3F97];
	s0 =	simm.s32 @p0 $0x1  }
0x13: {  	[smem:$0x3FB2] =	sst s0;
	s0 =	simm.s32 @!p1 $0x0  }
0x14: {  	s2 =	sld [smem:$0x3F96];
	s0 =	simm.s32 @p1 $0x1  }
0x15: {  	[smem:$0x3FB3] =	sst s0;
	s0 =	simm.s32 @!p2 $0x0  }
0x16: {  	s3 =	sld [smem:$0x3FDB];
	s0 =	simm.s32 @p2 $0x1  }
0x17: {  	s4 =	simm.s32 $0x1BF5;
	[smem:$0x3FB5] =	sst s0  }
0x18: {  	s0 =	sld [smem:$0x3F98];
	_ =	swait.ge [sflag:s4], $0x0  }
0x19: {  	s7 =	sld [smem:$0x3F99]  }
0x1a: {  	s8 =	sadd.s32 $0xFFFFE003, lr  }
0x1b: {  	s9 =	sadd.s32 $0xFFFFFEF7, lr;
	s5 =	simm.s32 $0xFFFFFFFF;
	p2 =	slt.u32 s8, $0xFFFFF086  }
0x1c: {  	p1 =	slt.u32 s9, $0xF7A;
	s5 =	simm.s32 @!p2 $0x0  }
0x1d: {  	s5 =	simm.s32 @p1 $0x1;
	p0 =	seq.s32 s7, s2  }
0x1e: {  	s7 =	smul.u32 @!p0 $0xF7A, s2;
	p2 =	seq.s32 @!p0 s5, $0x0  }
0x1f: {  	s9 =	smul.u32 $0xF7A, s1;
	s8 =	simm.s32 @!p0 $0x1BF5;
	p2 =	por !p2, p0  }
0x20: {  	[sflag:s8] =	ssyncset.s32 @!p0 $0xFFFFF086;
	s6 =	sadd.s32 @!p0 s3, s7;
	s7 =	simm.s32 @!p0 $0x108  }
0x21: {  	s3 =	sadd.s32 s3, s9;
	s6 =	sadd.s32 @!p0 $0x88, s6;
	s7 =	simm.s32 @p2 $0x1082  }
0x22: {  	[simem:s7], [sflag:s8] =	dma.local @!p0 [hbm:s6], $0xF7A  }
0x23: {  	s9 =	sor.u32 $0xD0000000, s2;
	s6 =	simm.s32 $0x108;
	_ =	swait.ge @!p0 [sflag:s8], $0x0  }
0x24: {  	s3 =	sadd.s32 $0x88, s3;
	s6 =	simm.s32 @!p1 $0x1082;
	[sflag:s4] =	ssyncset.s32 $0xFFFFF086  }
0x25: {  	[simem:s6], [sflag:s4] =	dma.local [hbm:s3], $0xF7A  }
0x26: {  	[smem:$0x3F99] =	sst s1;
	(tag) =	ssettag s2;
	_ =	strace s9  }
0x27: {  	s1 =	sld [smem:$0x3FA9]  }
0x28: {  	s2 =	sld [smem:$0x3FAA]  }
0x29: {  	s4 =	sld [smem:$0x3FAC]  }
0x2a: {  	p0 =	seq.s32 s5, $0x0;
	s5 =	sld [smem:$0x3FAD]  }
0x2b: {  	s6 =	sld [smem:$0x3FAE]  }
0x2c: {  	s7 =	sld [smem:$0x3FAF]  }
0x2d: {  	s3 =	simm.s32 $0x108;
	s8 =	sld [smem:$0x3FB0]  }
0x2e: {  	s3 =	simm.s32 @!p0 $0x1082;
	s9 =	sld [smem:$0x3FB1]  }
0x2f: {  	lr =	sadd.s32 s0, s3;
	s0 =	sld [smem:$0x3FA8]  }
0x30: {  	s3 =	sld [smem:$0x3FAB]  }
0x31: {  	[smem:$0x3FB4] =	sst s10  }
0x32: {  	s10 =	sld [smem:$0x3FB2];
	_ =	sdelay $0x3  }
0x33: {  	p0 =	seq.s32 s10, $0x1;
	s10 =	sld [smem:$0x3FB4];
	_ =	sdelay $0x3  }
0x34: {  	[smem:$0x3FB4] =	sst s10  }
0x35: {  	s10 =	sld [smem:$0x3FB3];
	_ =	sdelay $0x3  }
0x36: {  	p1 =	seq.s32 s10, $0x1;
	s10 =	sld [smem:$0x3FB4];
	_ =	sdelay $0x3  }
0x37: {  	[smem:$0x3FB4] =	sst s10  }
0x38: {  	s10 =	sld [smem:$0x3FB5]  }
0x39: {  	_ = 	snop;
	(pc) =	sbr.ind lr, $3  }
0x3a: {  	_ = 	snop  }
0x3b: {  	_ = 	snop  }
0x3c: {  	p2 =	seq.s32 s10, $0x1;
	s10 =	sld [smem:$0x3FB4]  }
0x3d: {  	_ =	shalt  }
0x3e: {  	_ =	shalt  }
0x3f: {  	_ =	shalt  }
0x40: {  	_ =	shalt  }
0x41: {  	_ =	shalt  }
0x42: {  	_ =	shalt  }
0x43: {  	_ =	shalt  }
0x44: {  	_ =	shalt  }
0x45: {  	_ =	shalt  }
0x46: {  	_ =	shalt  }
0x47: {  	_ =	shalt  }
0x48: {  	_ =	shalt  }
0x49: {  	_ =	shalt  }
0x4a: {  	_ =	shalt  }
0x4b: {  	_ =	shalt  }
0x4c: {  	_ =	shalt  }
0x4d: {  	_ =	shalt  }
0x4e: {  	_ =	shalt  }
0x4f: {  	_ =	shalt  }
0x50: {  	_ =	shalt  }
0x51: {  	_ =	shalt  }
0x52: {  	_ =	shalt  }
0x53: {  	_ =	shalt  }
0x54: {  	_ =	shalt  }
0x55: {  	_ =	shalt  }
0x56: {  	_ =	shalt  }
0x57: {  	_ =	shalt  }
0x58: {  	_ =	shalt  }
0x59: {  	_ =	shalt  }
0x5a: {  	_ =	shalt  }
0x5b: {  	_ =	shalt  }
0x5c: {  	_ =	shalt  }
0x5d: {  	_ =	shalt  }
0x5e: {  	_ =	shalt  }
0x5f: {  	_ =	shalt  }
0x60: {  	_ =	shalt  }
0x61: {  	_ =	shalt  }
0x62: {  	_ =	shalt  }
0x63: {  	_ =	shalt  }
0x64: {  	_ =	shalt  }
0x65: {  	_ =	shalt  }
0x66: {  	_ =	shalt  }
0x67: {  	_ =	shalt  }
0x68: {  	_ =	shalt  }
0x69: {  	_ =	shalt  }
0x6a: {  	_ =	shalt  }
0x6b: {  	_ =	shalt  }
0x6c: {  	_ =	shalt  }
0x6d: {  	_ =	shalt  }
0x6e: {  	_ =	shalt  }
0x6f: {  	_ =	shalt  }
0x70: {  	_ =	shalt  }
0x71: {  	_ =	shalt  }
0x72: {  	_ =	shalt  }
0x73: {  	_ =	shalt  }
0x74: {  	_ =	shalt  }
0x75: {  	_ =	shalt  }
0x76: {  	_ =	shalt  }
0x77: {  	_ =	shalt  }
0x78: {  	_ =	shalt  }
0x79: {  	_ =	shalt  }
0x7a: {  	_ =	shalt  }
0x7b: {  	_ =	shalt  }
0x7c: {  	_ =	shalt  }
0x7d: {  	_ =	shalt  }
0x7e: {  	_ =	shalt  }
0x7f: {  	_ =	shalt  }
0x80: {  	_ =	shalt  }
0x81: {  	_ =	shalt  }
0x82: {  	_ =	shalt  }
0x83: {  	_ =	shalt  }
0x84: {  	_ =	shalt  }
0x85: {  	_ =	shalt  }
0x86: {  	_ =	shalt  }
0x87: {  	_ =	shalt  }
.Lfunc_end0:
.L_simem_size_0:
called_computation.2_lowered:
.L_overlay_start_0:
0x88: {  	s2 =	sld [smem:$0x3FD9]  }
0x89: {  	s3 =	sld [smem:$0x3FFE];
	_ =	sdelay $0x1  }
0x8a: {  	s1 =	srdreg.scid  }
0x8b: {  	s0 =	sand.u32 $0x1, s1  }
0x8c: {  	s17 =	sshll.u32 s0, $0xA;
	s2 =	sadd.s32 s3, s2  }
0x8d: {  	s2 =	sadd.s32 s2, s17  }
0x8e: {  	[smem:$0x3FC0] =	sst s2  }
0x8f: {  	_ = 	snop  }
0x90: {  	s2 =	sld [smem:$0x3FD0];
	(tm) =	ssettm $0x1  }
0x91: {  	s18 =	sld [smem:$0x3FFB];
	_ =	sdelay $0x3  }
0x92: {  	_ =	strace s18  }
0x93: {  	s3 =	sld [smem:$0x3FFC];
	_ =	sdelay $0x3  }
0x94: {  	_ =	strace s3  }
0x95: {  	s3 =	sld [smem:$0x3FFD];
	_ =	sdelay $0x3  }
0x96: {  	_ =	strace s3  }
0x97: {  	_ =	strace $0x8FFFFFFF  }
0x98: {  	s19 =	sld [smem:$0x3FDB];
	_ =	sdelay $0x1  }
0x99: {  	s4 =	simm.s32 $_scs_section_size  }
0x9a: {  	s5 =	simm.s32 $_size__tile_overlayer_lowered;
	s6 =	simm.s32 $_tile_overlayer_lowered  }
0x9b: {  	s22 =	simm.s32 $0x1BFF;
	s21 =	sshll.u32 s6, $0x1;
	s3 =	sadd.s32 s4, s19  }
0x9c: {  	s7 =	simm.s32 $0x0;
	s20 =	sshll.u32 s5, $0x1;
	s5 =	sadd.s32 s21, s3  }
0x9d: {  	[timem:s7], [sflag:s22] =	dma.local [hbm:s5], s20  }
0x9e: {  	_ =	swait.ge [sflag:s22], s20  }
0x9f: {  	s4 =	ssub.s32 $0x0, s20;
	[sflag:s22] =	ssyncset.done $0x0  }
0xa0: {  	[sflag:s22] =	ssyncadd.s32 s4;
	_ =	sdelay $0x1  }
0xa1: {  	s23 =	simm.s32 $0x1B8B  }
0xa2: {  	_ =	swait.ge [sflag:s23], $0x1  }
0xa3: {  	[sflag:s23] =	ssyncset.done $0x0  }
0xa4: {  	s25 =	simm.s32 $0x1B8E;
	s24 =	sld [smem:$0x3FFE];
	[sflag:s23] =	ssyncadd.s32 $0xFFFFFFFF  }
0xa5: {  	s26 =	simm.s32 $execute0_lowered;
	[smem:$0x3FD2] =	sst s25  }
0xa6: {  	s5 =	sshll.u32 s26, $0x1;
	_ =	strace $0x8000004C;
	[dreg:$0x1] =	wrdreg $0xFFFFFFFF  }
0xa7: {  	s28 =	simm.s32 $_size_execute0_lowered;
	s3 =	sadd.s32 s3, s5;
	[dreg:$0x0] =	wrdreg $0x0  }
0xa8: {  	s5 =	sshll.u32 s28, $0x1;
	[dreg:$0x2] =	wrdreg s3  }
0xa9: {  	[dreg:$0x3] =	wrdreg s5  }
0xaa: {  	[dreg:$0x4] =	wrdreg $0xC0  }
0xab: {  	_ =	task [dreg:s7], $0x5FFFF  }
0xac: {  	[dreg:$0x1] =	wrdreg $0xFFFFFFFF  }
0xad: {  	[dreg:$0x0] =	wrdreg $0x60  }
0xae: {  	[dreg:$0x2] =	wrdreg s24  }
0xaf: {  	[dreg:$0x3] =	wrdreg s2  }
0xb0: {  	[dreg:$0x4] =	wrdreg $0xA9000  }
0xb1: {  	[dreg:$0x5] =	wrdreg $0x9  }
0xb2: {  	_ =	task.clear_ibuf [dreg:s7], $0x6FFFF;
	_ =	strace $0x9000004C  }
0xb3: {  	s29 =	simm.s32 $0x9;
	_ =	strace $0x8000004E  }
0xb4: {  	_ =	swait.ge [sflag:s29], $0x1  }
0xb5: {  	[sflag:s29] =	ssyncadd.s32 $0xFFFFFFFF  }
0xb6: {  	_ =	strace $0x9000004E  }
0xb7: {  	_ =	sfence  }
0xb8: {  	s30 =	sld [smem:$0x0];
	_ =	sdelay $0x2  }
0xb9: {  	s31 =	sshll.u32 s1, $0xD;
	s1 =	sshrl.u32 s1, $0x2  }
0xba: {  	s3 =	sand.u32 $0x4000, s31;
	s1 =	sadd.s32 s1, s30  }
0xbb: {  	s0 =	sor.u32 s3, s0;
	s1 =	sshll.u32 s1, $0x11  }
0xbc: {  	s0 =	sor.u32 s1, s0  }
0xbd: {  	s0 =	sadd.s32 $0x8F2B, s0  }
0xbe: {  	[sflag:s0] =	ssyncadd.remote.s32 $0x1  }
0xbf: {  	_ =	sfence.sel $0xFFFF  }
0xc0: {  	[dreg:$0x0] =	wrdreg $0xFFFFFFFF;
	(pc) =	sbr.abs _section_cstart, $3  }
0xc1: {  	[dreg:$0x1] =	wrdreg $0xFFFFFFFF  }
0xc2: {  	_ =	task.clear_ibuf [dreg:s7], $0x2FFFF;
	_ =	strace $0x9FFFFFFF  }
0xc3: {  	(tm) =	ssettm $0x7FFFFFFF  }
tec
execute0_lowered:
.L_overlay_start_1:
0x0: {  	(tag) =	ssettag $0x1  }
0x1: {  	s0 =	rddreg [dreg:$0x0]  }
0x2: {  	s1 =	rddreg [dreg:$0x1]  }
0x3: {  	s2 =	rddreg [dreg:$0x2]  }
0x4: {  	s3 =	srdreg.scid;
	s12 =	stileid.u32  }
0x5: {  	s20 =	simm.s32 $0x6;
	s21 =	simm.s32 $0x2800;
	s22 =	simm.s32 $0x7D  }
0x6: {  	s23 =	simm.s32 $0x2900;
	s29 =	simm.s32 $0x1;
	s5 =	smul.u32 $0x14000, s12  }
0x7: {  	s30 =	simm.s32 $0x3;
	s31 =	simm.s32 $0x2;
	s10 =	smul.u32 $0x50000, s12  }
0x8: {  	s6 =	sand.u32 $0x1, s3;
	s3 =	simm.s32 $0x0;
	s28 =	smul.u32 $0x2800, s12  }
0x9: {  	s19 =	sadd.s32 $0x16400, s0;
	s4 =	smul.u32 $0x140000, s6;
	s7 =	sshll.u32 s6, $0x4  }
0xa: {  	[smem:$0x7FF] =	sst s3;
	s8 =	ssub.s32 $0x2, s6;
	s26 =	smul.u32 $0x28000, s6  }
0xb: {  	s7 =	sor.u32 s12, s7;
	_ =	strace $0x8000004D;
	s9 =	sshrl.u32 s8, $0x1  }
0xc: {  	s25 =	sshrl.u32 s10, $0x2;
	s5 =	sadd.s32 s5, s4;
	s7 =	smul.u32 $0x2800, s7  }
0xd: {  	s4 =	sadd.s32 $0x20400, s0;
	s11 =	ssub.s32 s8, s9;
	s9 =	sadd.s32 s25, s2  }
0xe: {  	s25 =	simm.s32 $0x5;
	s5 =	sshrl.u32 s5, $0x3;
	s10 =	smax.u32 s11, $0x1  }
0xf: {  	s11 =	sadd.s32 $0x2800, s9;
	s12 =	sadd.s32 $0x5000, s9;
	s13 =	sadd.s32 $0x7800, s9  }
0x10: {  	s14 =	sadd.s32 $0xA000, s9;
	s15 =	sadd.s32 $0xC800, s9;
	s7 =	sshrl.u32 s7, $0x3  }
0x11: {  	s16 =	sadd.s32 $0xF000, s9;
	s0 =	sadd.s32 s5, s0;
	s1 =	sadd.s32 s1, s7  }
0x12: {  	s17 =	sadd.s32 $0x11800, s9;
	s0 =	sadd.s32 $0x47600, s0;
	[dreg:$0x4] =	wrdreg s1  }
0x13: {  	s5 =	sadd.s32 s19, s7;
	[dreg:$0x6] =	wrdreg s0;
	s0 =	sadd.s32 s28, s26  }
0x14: {  	s24 =	sadd.s32 $0x10, s5;
	s26 =	simm.s32 $0x2880;
	s1 =	sor.u32 $0x100, s0  }
0x15: {  	[dreg:$0x5] =	wrdreg s24;
	s0 =	sor.u32 $0x180, s0;
	s1 =	sshrl.u32 s1, $0x3  }
0x16: {  	s24 =	simm.s32 $0x6900;
	s0 =	sshrl.u32 s0, $0x3;
	s18 =	sadd.s32 s1, s19  }
0x17: {  	v0 =	vimm.f32 $0.0e+00;
	s19 =	sadd.s32 s0, s19;
	s0 =	simm.s32 $0x4;
	s1 =	simm.s32 $0x0  }
.LBB2_1:
0x18: {  	s6 =	rddreg [dreg:$0x4]  }
0x19: {  	[tilespmem:s3], [sflag:$0x6] =	stream.linear.gather [hbm4b:s6+s3], $0x2800, $0x38;
	[tilespmem:$0x1E900] =	vst v63  }
0x1a: {  	_ =	swait.ge [sflag:s20], $0x2800  }
0x1b: {  	s8 =	sand.u32 $0xFE00, s3;
	[sflag:s20] =	ssyncset.done $0x0  }
0x1c: {  	s7 =	sand.u32 $0x70, s3;
	s28 =	sshrl.u32 s8, $0x2;
	[sflag:s20] =	ssyncadd.s32 $0xFFFFD800  }
0x1d: {  	[tilespmem:s21], [sflag:$0x3] =	stream.linear.gather [hbm4b:s5+s3], $0x80, $0x38;
	[tilespmem:$0x1E900] =	vst v63  }
0x1e: {  	s6 =	simm.s32 $0x40;
	s7 =	sor.u32 s7, s28;
	s28 =	simm.s32 $0x0  }
0x1f: {  	[tilespmem:s23], [sflag:$0x1] =	stream.indirect.gather [hbm4b:s4+s22], $0x80, s3, s22, $0xb8;
	[tilespmem:$0x1E900] =	vst v63  }
.LBB2_2:
0x20: {  	p0 =	sne.s32 s6, $0x9FC0  }
0x21: {  	[tilespmem:s7+$0x6900] =	vst v0;
	s28 =	sadd.s32 $0x10, s28;
	s7 =	smov.u32 s6;
	s6 =	sadd.s32 $0x40, s6  }
.Ltmp0:
0x22: {  	(pc) =	sbr.rel @p0 .LBB2_2-.Ltmp0, $4  }
0x23: {  	_ = 	snop  }
0x24: {  	s7 =	sand.u32 $0xFE00, s7  }
0x25: {  	s8 =	sand.u32 $0x70, s28;
	s7 =	sshrl.u32 s7, $0x2  }
0x26: {  	s7 =	sor.u32 s8, s7  }
0x27: {  	[tilespmem:s7+$0x6900] =	vst v0  }
0x28: {  	[spmem:s9] =	stream.linear.scatter [tilespmem:s24], [sflag:$0x5], $0x2800, $0x38;
	[tilespmem:$0x1E900] =	vst v63  }
0x29: {  	_ = 	snop  }
0x2a: {  	[spmem:s11] =	stream.linear.scatter [tilespmem:s24], [sflag:$0x5], $0x2800, $0x38;
	[tilespmem:$0x1E900] =	vst v63  }
0x2b: {  	_ = 	snop  }
0x2c: {  	[spmem:s12] =	stream.linear.scatter [tilespmem:s24], [sflag:$0x5], $0x2800, $0x38;
	[tilespmem:$0x1E900] =	vst v63  }
0x2d: {  	_ = 	snop  }
0x2e: {  	[spmem:s13] =	stream.linear.scatter [tilespmem:s24], [sflag:$0x5], $0x2800, $0x38;
	[tilespmem:$0x1E900] =	vst v63  }
0x2f: {  	_ = 	snop  }
0x30: {  	[spmem:s14] =	stream.linear.scatter [tilespmem:s24], [sflag:$0x5], $0x2800, $0x38;
	[tilespmem:$0x1E900] =	vst v63  }
0x31: {  	_ = 	snop  }
0x32: {  	[spmem:s15] =	stream.linear.scatter [tilespmem:s24], [sflag:$0x5], $0x2800, $0x38;
	[tilespmem:$0x1E900] =	vst v63  }
0x33: {  	_ = 	snop  }
0x34: {  	[spmem:s16] =	stream.linear.scatter [tilespmem:s24], [sflag:$0x5], $0x2800, $0x38;
	[tilespmem:$0x1E900] =	vst v63  }
0x35: {  	_ = 	snop  }
0x36: {  	[spmem:s17] =	stream.linear.scatter [tilespmem:s24], [sflag:$0x5], $0x2800, $0x38;
	[tilespmem:$0x1E900] =	vst v63  }
0x37: {  	_ =	swait.ge [sflag:s25], $0x2800  }
0x38: {  	[sflag:s25] =	ssyncset.done $0x0  }
0x39: {  	[sflag:s25] =	ssyncadd.s32 $0xFFFFD800  }
0x3a: {  	_ =	swait.ge [sflag:s25], $0x2800  }
0x3b: {  	[sflag:s25] =	ssyncset.done $0x0  }
0x3c: {  	[sflag:s25] =	ssyncadd.s32 $0xFFFFD800  }
0x3d: {  	_ =	swait.ge [sflag:s25], $0x2800  }
0x3e: {  	[sflag:s25] =	ssyncset.done $0x0  }
0x3f: {  	[sflag:s25] =	ssyncadd.s32 $0xFFFFD800  }
0x40: {  	_ =	swait.ge [sflag:s25], $0x2800  }
0x41: {  	[sflag:s25] =	ssyncset.done $0x0  }
0x42: {  	[sflag:s25] =	ssyncadd.s32 $0xFFFFD800  }
0x43: {  	_ =	swait.ge [sflag:s25], $0x2800  }
0x44: {  	[sflag:s25] =	ssyncset.done $0x0  }
0x45: {  	[sflag:s25] =	ssyncadd.s32 $0xFFFFD800  }
0x46: {  	_ =	swait.ge [sflag:s25], $0x2800  }
0x47: {  	[sflag:s25] =	ssyncset.done $0x0  }
0x48: {  	[sflag:s25] =	ssyncadd.s32 $0xFFFFD800  }
0x49: {  	_ =	swait.ge [sflag:s25], $0x2800  }
0x4a: {  	[sflag:s25] =	ssyncset.done $0x0  }
0x4b: {  	[sflag:s25] =	ssyncadd.s32 $0xFFFFD800  }
0x4c: {  	_ =	swait.ge [sflag:s25], $0x2800  }
0x4d: {  	[sflag:s25] =	ssyncset.done $0x0  }
0x4e: {  	[sflag:s25] =	ssyncadd.s32 $0xFFFFD800  }
0x4f: {  	[bflag:$0x0] =	sbarrier.arrive $0xFFFF  }
0x50: {  	s6 =	simm.s32 $0x0;
	s8 =	rddreg [dreg:$0x5]  }
0x51: {  	[tilespmem:s26], [sflag:$0x4] =	stream.linear.gather [hbm4b:s8+s6], $0x80, $0x38;
	[tilespmem:$0x1E900] =	vst v63  }
0x52: {  	s7 =	simm.s32 $0x80  }
0x53: {  	[tilespmem:s24], [sflag:$0x2] =	stream.indirect.gather [hbm4b:s4+s22], $0x80, s7, s22, $0xb8;
	[tilespmem:$0x1E900] =	vst v63  }
0x54: {  	_ =	swait.ge [sflag:s29], $0x3E80  }
0x55: {  	[sflag:s29] =	ssyncset.done $0x0  }
0x56: {  	[sflag:s29] =	ssyncadd.s32 $0xFFFFC180  }
0x57: {  	_ =	swait.ge [sflag:s30], $0x80  }
0x58: {  	[sflag:s30] =	ssyncset.done $0x0  }
0x59: {  	[sflag:s30] =	ssyncadd.s32 $0xFFFFFF80  }
0x5a: {  	[spmem:s2] =	stream.indirect.scatter.add.f32 [tilespmem:s23], [sflag:$0x6], $0x80, s21, s22, $0xb8;
	[tilespmem:$0x1E900] =	vst v63  }
0x5b: {  	_ =	swait.ge [sflag:s20], $0x3E80  }
0x5c: {  	[sflag:s20] =	ssyncset.done $0x0  }
0x5d: {  	s8 =	sadd.s32 $0x0, s18;
	[sflag:s20] =	ssyncadd.s32 $0xFFFFC180  }
0x5e: {  	[tilespmem:s21], [sflag:$0x3] =	stream.linear.gather [hbm4b:s8+s3], $0x80, $0x38;
	[tilespmem:$0x1E900] =	vst v63  }
0x5f: {  	s7 =	simm.s32 $0x100  }
0x60: {  	[tilespmem:s23], [sflag:$0x1] =	stream.indirect.gather [hbm4b:s4+s22], $0x80, s7, s22, $0xb8;
	[tilespmem:$0x1E900] =	vst v63  }
0x61: {  	_ =	swait.ge [sflag:s31], $0x3E80  }
0x62: {  	[sflag:s31] =	ssyncset.done $0x0  }
0x63: {  	[sflag:s31] =	ssyncadd.s32 $0xFFFFC180  }
0x64: {  	_ =	swait.ge [sflag:s0], $0x80  }
0x65: {  	[sflag:s0] =	ssyncset.done $0x0  }
0x66: {  	[sflag:s0] =	ssyncadd.s32 $0xFFFFFF80  }
0x67: {  	[spmem:s2] =	stream.indirect.scatter.add.f32 [tilespmem:s24], [sflag:$0x6], $0x80, s26, s22, $0xb8;
	[tilespmem:$0x1E900] =	vst v63  }
0x68: {  	_ =	swait.ge [sflag:s20], $0x3E80  }
0x69: {  	s28 =	simm.s32 $0x20;
	s6 =	simm.s32 $0x200;
	[sflag:s20] =	ssyncset.done $0x0  }
0x6a: {  	s8 =	sadd.s32 $0x0, s19;
	s7 =	simm.s32 $0x180;
	[sflag:s20] =	ssyncadd.s32 $0xFFFFC180  }
0x6b: {  	[tilespmem:s26], [sflag:$0x4] =	stream.linear.gather [hbm4b:s8+s3], $0x80, $0x38;
	[tilespmem:$0x1E900] =	vst v63  }
.LBB2_4:
0x6c: {  	[tilespmem:s24], [sflag:$0x2] =	stream.indirect.gather [hbm4b:s4+s22], $0x80, s7, s22, $0xb8;
	[tilespmem:$0x1E900] =	vst v63  }
0x6d: {  	s7 =	smov.u32 s28  }
0x6e: {  	p0 =	sne.s32 s28, $0x4C0;
	s28 =	sadd.s32 $0x20, s28;
	_ =	swait.ge [sflag:s29], $0x3E80  }
0x6f: {  	[sflag:s29] =	ssyncset.done $0x0  }
0x70: {  	[sflag:s29] =	ssyncadd.s32 $0xFFFFC180  }
0x71: {  	_ =	swait.ge [sflag:s30], $0x80  }
0x72: {  	[sflag:s30] =	ssyncset.done $0x0  }
0x73: {  	[sflag:s30] =	ssyncadd.s32 $0xFFFFFF80  }
0x74: {  	[spmem:s2] =	stream.indirect.scatter.add.f32 [tilespmem:s23], [sflag:$0x6], $0x80, s21, s22, $0xb8;
	[tilespmem:$0x1E900] =	vst v63  }
0x75: {  	_ =	swait.ge [sflag:s20], $0x3E80  }
0x76: {  	[sflag:s20] =	ssyncset.done $0x0  }
0x77: {  	s8 =	sadd.s32 s7, s18;
	[sflag:s20] =	ssyncadd.s32 $0xFFFFC180  }
0x78: {  	[tilespmem:s21], [sflag:$0x3] =	stream.linear.gather [hbm4b:s8+s3], $0x80, $0x38;
	[tilespmem:$0x1E900] =	vst v63  }
0x79: {  	_ = 	snop  }
0x7a: {  	[tilespmem:s23], [sflag:$0x1] =	stream.indirect.gather [hbm4b:s4+s22], $0x80, s6, s22, $0xb8;
	[tilespmem:$0x1E900] =	vst v63  }
0x7b: {  	_ =	swait.ge [sflag:s31], $0x3E80  }
0x7c: {  	[sflag:s31] =	ssyncset.done $0x0  }
0x7d: {  	[sflag:s31] =	ssyncadd.s32 $0xFFFFC180  }
0x7e: {  	_ =	swait.ge [sflag:s0], $0x80  }
0x7f: {  	[sflag:s0] =	ssyncset.done $0x0  }
0x80: {  	[sflag:s0] =	ssyncadd.s32 $0xFFFFFF80  }
0x81: {  	[spmem:s2] =	stream.indirect.scatter.add.f32 [tilespmem:s24], [sflag:$0x6], $0x80, s26, s22, $0xb8;
	[tilespmem:$0x1E900] =	vst v63  }
.Ltmp1:
0x82: {  	_ =	swait.ge [sflag:s20], $0x3E80;
	(pc) =	sbr.rel @p0 .LBB2_4-.Ltmp1, $4  }
0x83: {  	[sflag:s20] =	ssyncset.done $0x0  }
0x84: {  	s7 =	sadd.s32 s7, s19;
	[sflag:s20] =	ssyncadd.s32 $0xFFFFC180  }
0x85: {  	[tilespmem:s26], [sflag:$0x4] =	stream.linear.gather [hbm4b:s7+s3], $0x80, $0x38;
	[tilespmem:$0x1E900] =	vst v63  }
0x86: {  	s7 =	sadd.s32 $0x80, s6;
	s6 =	sadd.s32 $0x100, s6  }
0x87: {  	[tilespmem:s24], [sflag:$0x2] =	stream.indirect.gather [hbm4b:s4+s22], $0x80, s7, s22, $0xb8;
	[tilespmem:$0x1E900] =	vst v63  }
0x88: {  	_ =	swait.ge [sflag:s29], $0x3E80  }
0x89: {  	[sflag:s29] =	ssyncset.done $0x0  }
0x8a: {  	[sflag:s29] =	ssyncadd.s32 $0xFFFFC180  }
0x8b: {  	_ =	swait.ge [sflag:s30], $0x80  }
0x8c: {  	[sflag:s30] =	ssyncset.done $0x0  }
0x8d: {  	[sflag:s30] =	ssyncadd.s32 $0xFFFFFF80  }
0x8e: {  	[spmem:s2] =	stream.indirect.scatter.add.f32 [tilespmem:s23], [sflag:$0x6], $0x80, s21, s22, $0xb8;
	[tilespmem:$0x1E900] =	vst v63  }
0x8f: {  	_ =	swait.ge [sflag:s20], $0x3E80  }
0x90: {  	[sflag:s20] =	ssyncset.done $0x0  }
0x91: {  	[sflag:s20] =	ssyncadd.s32 $0xFFFFC180  }
0x92: {  	_ =	swait.ge [sflag:s31], $0x3E80  }
0x93: {  	[sflag:s31] =	ssyncset.done $0x0  }
0x94: {  	[sflag:s31] =	ssyncadd.s32 $0xFFFFC180  }
0x95: {  	_ =	swait.ge [sflag:s0], $0x80  }
0x96: {  	[sflag:s0] =	ssyncset.done $0x0  }
0x97: {  	[sflag:s0] =	ssyncadd.s32 $0xFFFFFF80  }
0x98: {  	[spmem:s2] =	stream.indirect.scatter.add.f32 [tilespmem:s24], [sflag:$0x6], $0x80, s26, s22, $0xb8;
	[tilespmem:$0x1E900] =	vst v63  }
0x99: {  	_ =	swait.ge [sflag:s20], $0x3E80  }
0x9a: {  	s6 =	stileid.u32;
	[sflag:s20] =	ssyncset.done $0x0  }
0x9b: {  	s28 =	sshrl.u32 s9, $0x3;
	s1 =	sadd.s32 $0x1, s1;
	[sflag:s20] =	ssyncadd.s32 $0xFFFFC180  }
0x9c: {  	s6 =	sshll.u32 s6, $0x6;
	p0 =	sne.s32 s1, s10;
	[bflag:$0x0] =	sbarrier.arrive $0xFFFF  }
.Ltmp2:
0x9d: {  	s6 =	sor.u32 $0x1C06, s6;
	s8 =	rddreg [dreg:$0x6];
	(pc) =	sbr.rel @p0 .LBB2_1-.Ltmp2, $4  }
0x9e: {  	[hbm:s8], [sflag:s6] =	dma.local [spmem:s28], $0x2800  }
0x9f: {  	_ =	swait.ge [sflag:s20], $0x2800  }
0xa0: {  	[sflag:s20] =	ssyncset.done $0x0  }
0xa1: {  	[sflag:s20] =	ssyncadd.s32 $0xFFFFD800  }
0xa2: {  	_ =	sfence.sel $0x180000  }
0xa3: {  	[bflag:$0x0] =	sbarrier.arrive $0xFFFF  }
0xa4: {  	_ =	strace $0x9000004D  }
0xa5: {  	s0 =	stileid.u32;
	[bflag:$0x2] =	sbarrier.arrive $0xFFFF  }
0xa6: {  	p0 =	sne.s32 s0, $0x0;
	s0 =	rddreg [dreg:$0x3]  }
0xa7: {  	s0 =	sadd.s32 @!p0 $0x100000, s0  }
0xa8: {  	[sflag:s0] =	ssyncadd.tile.s32 @!p0 $0x1;
	_ =	shalt  }
.Lfunc_end2:
_tile_overlayer_lowered:
.L_overlay_start_2:
0xa9: {  	(tag) =	ssettag $0x2  }
0xaa: {  	s0 =	rddreg [dreg:$0x0];
	s2 =	stileid.u32  }
0xab: {  	s1 =	rddreg [dreg:$0x1];
	p0 =	sne.s32 s2, $0x0  }
0xac: {  	s3 =	rddreg [dreg:$0x2];
	[bflag:$0x3] =	sbarrier.arrive $0xFFFF;
	s2 =	simm.s32 @!p0 $0x1C06  }
0xad: {  	[timem:s3], [sflag:s2] =	dma.local @!p0 [hbm:s0], s1  }
0xae: {  	s0 =	simm.s32 @!p0 $0x6  }
0xaf: {  	_ =	swait.ge @!p0 [sflag:s0], s1  }
0xb0: {  	s1 =	ssub.s32 @!p0 $0x0, s1;
	[sflag:s0] =	ssyncset.done @!p0 $0x0  }
0xb1: {  	[sflag:s0] =	ssyncadd.s32 @!p0 s1  }
0xb2: {  	[bflag:$0x3] =	sbarrier.arrive $0xFFFF  }
0xb3: {  	_ =	shalt  }

// kernel: kernel.8.cloned.1.call-start
scs
__scs_entry_jumppad:
0x0: {  	(pc) =	sbr.rel $0x88, $3  }
0x1: {  	(tag) =	ssettag $0x0;
	lr =	simm.s32 $0x1  }
0x2: {  	[smem:$0x3F99] =	sst lr;
	_ =	strace $0xD0000000  }
0x3: {  	_ = 	snop  }
0x4: {  	_ = 	snop  }
0x5: {  	_ = 	snop  }
0x6: {  	_ = 	snop  }
0x7: {  	_ = 	snop  }
__scs_overlays_trampoline_lowered:
0x8: {  	[smem:$0x3FA8] =	sst s0  }
0x9: {  	[smem:$0x3FA9] =	sst s1  }
0xa: {  	[smem:$0x3FAA] =	sst s2  }
0xb: {  	[smem:$0x3FAB] =	sst s3  }
0xc: {  	[smem:$0x3FAC] =	sst s4  }
0xd: {  	[smem:$0x3FAD] =	sst s5  }
0xe: {  	[smem:$0x3FAE] =	sst s6  }
0xf: {  	[smem:$0x3FAF] =	sst s7  }
0x10: {  	[smem:$0x3FB0] =	sst s8  }
0x11: {  	[smem:$0x3FB1] =	sst s9;
	s0 =	simm.s32 @!p0 $0x0  }
0x12: {  	s1 =	sld [smem:$0x3F97];
	s0 =	simm.s32 @p0 $0x1  }
0x13: {  	[smem:$0x3FB2] =	sst s0;
	s0 =	simm.s32 @!p1 $0x0  }
0x14: {  	s2 =	sld [smem:$0x3F96];
	s0 =	simm.s32 @p1 $0x1  }
0x15: {  	[smem:$0x3FB3] =	sst s0;
	s0 =	simm.s32 @!p2 $0x0  }
0x16: {  	s3 =	sld [smem:$0x3FDB];
	s0 =	simm.s32 @p2 $0x1  }
0x17: {  	s4 =	simm.s32 $0x1BF5;
	[smem:$0x3FB5] =	sst s0  }
0x18: {  	s0 =	sld [smem:$0x3F98];
	_ =	swait.ge [sflag:s4], $0x0  }
0x19: {  	s7 =	sld [smem:$0x3F99]  }
0x1a: {  	s8 =	sadd.s32 $0xFFFFE003, lr  }
0x1b: {  	s9 =	sadd.s32 $0xFFFFFEF7, lr;
	s5 =	simm.s32 $0xFFFFFFFF;
	p2 =	slt.u32 s8, $0xFFFFF086  }
0x1c: {  	p1 =	slt.u32 s9, $0xF7A;
	s5 =	simm.s32 @!p2 $0x0  }
0x1d: {  	s5 =	simm.s32 @p1 $0x1;
	p0 =	seq.s32 s7, s2  }
0x1e: {  	s7 =	smul.u32 @!p0 $0xF7A, s2;
	p2 =	seq.s32 @!p0 s5, $0x0  }
0x1f: {  	s9 =	smul.u32 $0xF7A, s1;
	s8 =	simm.s32 @!p0 $0x1BF5;
	p2 =	por !p2, p0  }
0x20: {  	[sflag:s8] =	ssyncset.s32 @!p0 $0xFFFFF086;
	s6 =	sadd.s32 @!p0 s3, s7;
	s7 =	simm.s32 @!p0 $0x108  }
0x21: {  	s3 =	sadd.s32 s3, s9;
	s6 =	sadd.s32 @!p0 $0x88, s6;
	s7 =	simm.s32 @p2 $0x1082  }
0x22: {  	[simem:s7], [sflag:s8] =	dma.local @!p0 [hbm:s6], $0xF7A  }
0x23: {  	s9 =	sor.u32 $0xD0000000, s2;
	s6 =	simm.s32 $0x108;
	_ =	swait.ge @!p0 [sflag:s8], $0x0  }
0x24: {  	s3 =	sadd.s32 $0x88, s3;
	s6 =	simm.s32 @!p1 $0x1082;
	[sflag:s4] =	ssyncset.s32 $0xFFFFF086  }
0x25: {  	[simem:s6], [sflag:s4] =	dma.local [hbm:s3], $0xF7A  }
0x26: {  	[smem:$0x3F99] =	sst s1;
	(tag) =	ssettag s2;
	_ =	strace s9  }
0x27: {  	s1 =	sld [smem:$0x3FA9]  }
0x28: {  	s2 =	sld [smem:$0x3FAA]  }
0x29: {  	s4 =	sld [smem:$0x3FAC]  }
0x2a: {  	p0 =	seq.s32 s5, $0x0;
	s5 =	sld [smem:$0x3FAD]  }
0x2b: {  	s6 =	sld [smem:$0x3FAE]  }
0x2c: {  	s7 =	sld [smem:$0x3FAF]  }
0x2d: {  	s3 =	simm.s32 $0x108;
	s8 =	sld [smem:$0x3FB0]  }
0x2e: {  	s3 =	simm.s32 @!p0 $0x1082;
	s9 =	sld [smem:$0x3FB1]  }
0x2f: {  	lr =	sadd.s32 s0, s3;
	s0 =	sld [smem:$0x3FA8]  }
0x30: {  	s3 =	sld [smem:$0x3FAB]  }
0x31: {  	[smem:$0x3FB4] =	sst s10  }
0x32: {  	s10 =	sld [smem:$0x3FB2];
	_ =	sdelay $0x3  }
0x33: {  	p0 =	seq.s32 s10, $0x1;
	s10 =	sld [smem:$0x3FB4];
	_ =	sdelay $0x3  }
0x34: {  	[smem:$0x3FB4] =	sst s10  }
0x35: {  	s10 =	sld [smem:$0x3FB3];
	_ =	sdelay $0x3  }
0x36: {  	p1 =	seq.s32 s10, $0x1;
	s10 =	sld [smem:$0x3FB4];
	_ =	sdelay $0x3  }
0x37: {  	[smem:$0x3FB4] =	sst s10  }
0x38: {  	s10 =	sld [smem:$0x3FB5]  }
0x39: {  	_ = 	snop;
	(pc) =	sbr.ind lr, $3  }
0x3a: {  	_ = 	snop  }
0x3b: {  	_ = 	snop  }
0x3c: {  	p2 =	seq.s32 s10, $0x1;
	s10 =	sld [smem:$0x3FB4]  }
0x3d: {  	_ =	shalt  }
0x3e: {  	_ =	shalt  }
0x3f: {  	_ =	shalt  }
0x40: {  	_ =	shalt  }
0x41: {  	_ =	shalt  }
0x42: {  	_ =	shalt  }
0x43: {  	_ =	shalt  }
0x44: {  	_ =	shalt  }
0x45: {  	_ =	shalt  }
0x46: {  	_ =	shalt  }
0x47: {  	_ =	shalt  }
0x48: {  	_ =	shalt  }
0x49: {  	_ =	shalt  }
0x4a: {  	_ =	shalt  }
0x4b: {  	_ =	shalt  }
0x4c: {  	_ =	shalt  }
0x4d: {  	_ =	shalt  }
0x4e: {  	_ =	shalt  }
0x4f: {  	_ =	shalt  }
0x50: {  	_ =	shalt  }
0x51: {  	_ =	shalt  }
0x52: {  	_ =	shalt  }
0x53: {  	_ =	shalt  }
0x54: {  	_ =	shalt  }
0x55: {  	_ =	shalt  }
0x56: {  	_ =	shalt  }
0x57: {  	_ =	shalt  }
0x58: {  	_ =	shalt  }
0x59: {  	_ =	shalt  }
0x5a: {  	_ =	shalt  }
0x5b: {  	_ =	shalt  }
0x5c: {  	_ =	shalt  }
0x5d: {  	_ =	shalt  }
0x5e: {  	_ =	shalt  }
0x5f: {  	_ =	shalt  }
0x60: {  	_ =	shalt  }
0x61: {  	_ =	shalt  }
0x62: {  	_ =	shalt  }
0x63: {  	_ =	shalt  }
0x64: {  	_ =	shalt  }
0x65: {  	_ =	shalt  }
0x66: {  	_ =	shalt  }
0x67: {  	_ =	shalt  }
0x68: {  	_ =	shalt  }
0x69: {  	_ =	shalt  }
0x6a: {  	_ =	shalt  }
0x6b: {  	_ =	shalt  }
0x6c: {  	_ =	shalt  }
0x6d: {  	_ =	shalt  }
0x6e: {  	_ =	shalt  }
0x6f: {  	_ =	shalt  }
0x70: {  	_ =	shalt  }
0x71: {  	_ =	shalt  }
0x72: {  	_ =	shalt  }
0x73: {  	_ =	shalt  }
0x74: {  	_ =	shalt  }
0x75: {  	_ =	shalt  }
0x76: {  	_ =	shalt  }
0x77: {  	_ =	shalt  }
0x78: {  	_ =	shalt  }
0x79: {  	_ =	shalt  }
0x7a: {  	_ =	shalt  }
0x7b: {  	_ =	shalt  }
0x7c: {  	_ =	shalt  }
0x7d: {  	_ =	shalt  }
0x7e: {  	_ =	shalt  }
0x7f: {  	_ =	shalt  }
0x80: {  	_ =	shalt  }
0x81: {  	_ =	shalt  }
0x82: {  	_ =	shalt  }
0x83: {  	_ =	shalt  }
0x84: {  	_ =	shalt  }
0x85: {  	_ =	shalt  }
0x86: {  	_ =	shalt  }
0x87: {  	_ =	shalt  }
.Lfunc_end0:
.L_simem_size_0:
called_computation_lowered:
.L_overlay_start_0:
0x88: {  	s2 =	sld [smem:$0x3FD9]  }
0x89: {  	s3 =	sld [smem:$0x3FFE];
	_ =	sdelay $0x1  }
0x8a: {  	s1 =	srdreg.scid  }
0x8b: {  	s0 =	sand.u32 $0x1, s1  }
0x8c: {  	s16 =	sshll.u32 s0, $0xA;
	s2 =	sadd.s32 s3, s2  }
0x8d: {  	s2 =	sadd.s32 s2, s16  }
0x8e: {  	[smem:$0x3FC0] =	sst s2  }
0x8f: {  	_ = 	snop  }
0x90: {  	(tm) =	ssettm $0x1  }
0x91: {  	s17 =	sld [smem:$0x3FFB];
	_ =	sdelay $0x3  }
0x92: {  	_ =	strace s17  }
0x93: {  	s2 =	sld [smem:$0x3FFC];
	_ =	sdelay $0x3  }
0x94: {  	_ =	strace s2  }
0x95: {  	s2 =	sld [smem:$0x3FFD];
	_ =	sdelay $0x3  }
0x96: {  	_ =	strace s2  }
0x97: {  	_ =	strace $0x8FFFFFFF  }
0x98: {  	s18 =	sld [smem:$0x3FDB];
	_ =	sdelay $0x1  }
0x99: {  	s19 =	simm.s32 $_scs_section_size  }
0x9a: {  	s4 =	simm.s32 $_size__tile_overlayer_lowered;
	s5 =	simm.s32 $_tile_overlayer_lowered  }
0x9b: {  	s22 =	simm.s32 $0x1BFF;
	s21 =	sshll.u32 s5, $0x1;
	s2 =	sadd.s32 s19, s18  }
0x9c: {  	s6 =	simm.s32 $0x0;
	s20 =	sshll.u32 s4, $0x1;
	s4 =	sadd.s32 s21, s2  }
0x9d: {  	[timem:s6], [sflag:s22] =	dma.local [hbm:s4], s20  }
0x9e: {  	_ =	swait.ge [sflag:s22], s20  }
0x9f: {  	s3 =	ssub.s32 $0x0, s20;
	[sflag:s22] =	ssyncset.done $0x0  }
0xa0: {  	[sflag:s22] =	ssyncadd.s32 s3;
	_ =	sdelay $0x1  }
0xa1: {  	s23 =	simm.s32 $0x1B8B  }
0xa2: {  	_ =	swait.ge [sflag:s23], $0x1  }
0xa3: {  	[sflag:s23] =	ssyncset.done $0x0  }
0xa4: {  	s25 =	simm.s32 $0x1B8E;
	s24 =	sld [smem:$0x3FFE];
	[sflag:s23] =	ssyncadd.s32 $0xFFFFFFFF  }
0xa5: {  	s26 =	simm.s32 $execute0_lowered;
	[smem:$0x3FD2] =	sst s25  }
0xa6: {  	s4 =	sshll.u32 s26, $0x1;
	_ =	strace $0x80000046;
	[dreg:$0x1] =	wrdreg $0xFFFFFFFF  }
0xa7: {  	s28 =	simm.s32 $_size_execute0_lowered;
	s2 =	sadd.s32 s2, s4;
	[dreg:$0x0] =	wrdreg $0x0  }
0xa8: {  	s4 =	sshll.u32 s28, $0x1;
	[dreg:$0x2] =	wrdreg s2  }
0xa9: {  	[dreg:$0x3] =	wrdreg s4  }
0xaa: {  	[dreg:$0x4] =	wrdreg $0xC0  }
0xab: {  	_ =	task [dreg:s6], $0x5FFFF  }
0xac: {  	[dreg:$0x1] =	wrdreg $0xFFFFFFFF  }
0xad: {  	[dreg:$0x0] =	wrdreg $0x60  }
0xae: {  	[dreg:$0x2] =	wrdreg s24  }
0xaf: {  	[dreg:$0x3] =	wrdreg $0x9  }
0xb0: {  	_ =	task.clear_ibuf [dreg:s6], $0x4FFFF;
	_ =	strace $0x90000046  }
0xb1: {  	s29 =	simm.s32 $0x9;
	_ =	strace $0x80000048  }
0xb2: {  	_ =	swait.ge [sflag:s29], $0x1  }
0xb3: {  	[sflag:s29] =	ssyncadd.s32 $0xFFFFFFFF  }
0xb4: {  	_ =	strace $0x90000048  }
0xb5: {  	_ =	sfence  }
0xb6: {  	s30 =	sld [smem:$0x0];
	_ =	sdelay $0x2  }
0xb7: {  	s31 =	sshll.u32 s1, $0xD;
	s1 =	sshrl.u32 s1, $0x2  }
0xb8: {  	s3 =	sand.u32 $0x4000, s31;
	s1 =	sadd.s32 s1, s30  }
0xb9: {  	s0 =	sor.u32 s3, s0;
	s1 =	sshll.u32 s1, $0x11  }
0xba: {  	s0 =	sor.u32 s1, s0  }
0xbb: {  	s0 =	sadd.s32 $0x8F2B, s0  }
0xbc: {  	[sflag:s0] =	ssyncadd.remote.s32 $0x1  }
0xbd: {  	_ =	sfence.sel $0xFFFF  }
0xbe: {  	[dreg:$0x0] =	wrdreg $0xFFFFFFFF;
	(pc) =	sbr.abs _section_cstart, $3  }
0xbf: {  	[dreg:$0x1] =	wrdreg $0xFFFFFFFF  }
0xc0: {  	_ =	task.clear_ibuf [dreg:s6], $0x2FFFF;
	_ =	strace $0x9FFFFFFF  }
0xc1: {  	(tm) =	ssettm $0x7FFFFFFF  }
tec
execute0_lowered:
.L_overlay_start_1:
0x0: {  	(tag) =	ssettag $0x1  }
0x1: {  	s0 =	srdreg.scid  }
0x2: {  	s3 =	sand.u32 $0x1, s0  }
0x3: {  	s0 =	stileid.u32;
	s1 =	sshll.u32 s3, $0x4  }
0x4: {  	s5 =	rddreg [dreg:$0x0];
	s2 =	simm.s32 $0x0;
	s1 =	sor.u32 s0, s1  }
0x5: {  	s7 =	simm.s32 $0x400;
	s8 =	simm.s32 $0x1;
	s1 =	sshrl.u32 s1, $0x3  }
0x6: {  	s9 =	simm.s32 $0x2780;
	s30 =	sshll.u32 s0, $0x7;
	s4 =	smul.u32 $0x13C00, s1  }
0x7: {  	s10 =	simm.s32 $0x0;
	s3 =	ssub.s32 $0x2, s3;
	s6 =	sand.u32 $0x380, s30  }
0x8: {  	[smem:$0x7FF] =	sst s2;
	s31 =	sshrl.u32 s3, $0x1;
	s4 =	sor.u32 s6, s4  }
0x9: {  	s1 =	rddreg [dreg:$0x1];
	_ =	strace $0x80000047;
	s4 =	sshrl.u32 s4, $0x3  }
0xa: {  	s6 =	simm.s32 $0x80;
	s4 =	sadd.s32 s4, s5;
	s5 =	ssub.s32 s3, s31  }
0xb: {  	v0 =	vimm.f32 $0.0e+00;
	v1 =	vimm.f32 $1.000000000e+00;
	s3 =	sadd.s32 $0x2800, s4;
	s4 =	sadd.s32 $0xC600, s4;
	s5 =	smax.u32 s5, $0x1  }
.LBB2_1:
0xc: {  	[tilespmem:s2], [sflag:$0x1] =	stream.strided.gather [hbm4b:s3+s6], $0x2780, s7, s6, $0x38;
	[tilespmem:$0x4F00] =	vst v63  }
0xd: {  	_ =	swait.ge [sflag:s8], $0x2780  }
0xe: {  	[sflag:s8] =	ssyncset.done $0x0  }
0xf: {  	s11 =	simm.s32 $0x0;
	[sflag:s8] =	ssyncadd.s32 $0xFFFFD880  }
.LBB2_2:
0x10: {  	p0 =	sne.s32 s11, $0x9C00  }
.Ltmp0:
0x11: {  	_ = 	snop;
	(pc) =	sbr.rel @p0 .LBB2_2-.Ltmp0, $3  }
0x12: {  	_ =	sdelay $0x1  }
0x13: {  	s12 =	sshra.s32 s11, $0x2  }
0x14: {  	s11 =	sadd.s32 $0x40, s11;
	[tilespmem:s12+$0x2780] =	vst v0  }
0x15: {  	s12 =	simm.s32 $0x0;
	s11 =	simm.s32 $0x40  }
.LBB2_4:
0x16: {  	p0 =	sne.s32 s11, $0x9C00;
	v2 =	vld [tilespmem:s12+$0x0];
	_ =	sdelay $0x3  }
.Ltmp1:
0x17: {  	(pc) =	sbr.rel @p0 .LBB2_4-.Ltmp1, $2  }
0x18: {  	_ =	sdelay $0x2  }
0x19: {  	s12 =	sshra.s32 s11, $0x2;
	s11 =	sadd.s32 $0x40, s11;
	[tilespmem:v2+s9+$0x0] =	vst.idx.add.f32.msk $0xffff, v1  }
0x1a: {  	v2 =	vld [tilespmem:s12+$0x0];
	_ =	sdelay $0x5  }
0x1b: {  	s10 =	sadd.s32 $0x1, s10  }
0x1c: {  	p0 =	sne.s32 s10, s5  }
.Ltmp2:
0x1d: {  	[tilespmem:v2+s9+$0x0] =	vst.idx.add.f32.msk $0xffff, v1;
	(pc) =	sbr.rel @p0 .LBB2_1-.Ltmp2, $4  }
0x1e: {  	[hbm4b:s4+s6] =	stream.strided.scatter [tilespmem:s9], [sflag:$0x1], $0x2780, s7, s6, $0x38;
	[tilespmem:$0x4F00] =	vst v63  }
0x1f: {  	_ =	swait.ge [sflag:s8], $0x2780  }
0x20: {  	[sflag:s8] =	ssyncset.done $0x0  }
0x21: {  	[sflag:s8] =	ssyncadd.s32 $0xFFFFD880  }
0x22: {  	_ =	sfence.sel $0x180000  }
0x23: {  	[bflag:$0x0] =	sbarrier.arrive $0xFFFF  }
0x24: {  	p0 =	sne.s32 s0, $0x0;
	_ =	strace $0x90000047  }
0x25: {  	s0 =	sadd.s32 @!p0 $0x100000, s1;
	[bflag:$0x2] =	sbarrier.arrive $0xFFFF  }
0x26: {  	[sflag:s0] =	ssyncadd.tile.s32 @!p0 $0x1;
	_ =	shalt  }
.Lfunc_end2:
_tile_overlayer_lowered:
.L_overlay_start_2:
0x27: {  	(tag) =	ssettag $0x2  }
0x28: {  	s0 =	rddreg [dreg:$0x0];
	s2 =	stileid.u32  }
0x29: {  	s1 =	rddreg [dreg:$0x1];
	p0 =	sne.s32 s2, $0x0  }
0x2a: {  	s3 =	rddreg [dreg:$0x2];
	[bflag:$0x3] =	sbarrier.arrive $0xFFFF;
	s2 =	simm.s32 @!p0 $0x1C01  }
0x2b: {  	[timem:s3], [sflag:s2] =	dma.local @!p0 [hbm:s0], s1  }
0x2c: {  	s0 =	simm.s32 @!p0 $0x1  }
0x2d: {  	_ =	swait.ge @!p0 [sflag:s0], s1  }
0x2e: {  	s1 =	ssub.s32 @!p0 $0x0, s1;
	[sflag:s0] =	ssyncset.done @!p0 $0x0  }
0x2f: {  	[sflag:s0] =	ssyncadd.s32 @!p0 s1  }
0x30: {  	[bflag:$0x3] =	sbarrier.arrive $0xFFFF  }
0x31: {  	_ =	shalt  }

</sc_bundles>
